<compile_context>
chip_gen: v7x
topology: tpu7x:2x2x1
jax: 0.10.2.dev20260603
libtpu: 0.0.44.dev20260713+nightly
codegen_flags: <defaults>
</compile_context>

<pallas_src>
import jax
import jax.numpy as jnp
from jax import lax
from jax.experimental import pallas as pl
from jax.experimental.pallas import tpu as pltpu
from jax.experimental.pallas import tpu_sc as plsc

VOCAB = 100000
DIM_EMB = 300
HID = 100
HID_PAD = 128
B, L = 4096, 200
NC, NS = 2, 16
NW = NC * NS
BPW = B // NW
LH = L // 2
NV = HID_PAD // 16


def _ew_body(et_ref, w_ref, o_ref):
    o_ref[...] = lax.dot_general(et_ref[...], w_ref[...],
                                 (((0,), (0,)), ((), ())),
                                 preferred_element_type=jnp.float32)


def _project_table(E_T, W_pad):
    rb = 2560
    return pl.pallas_call(
        _ew_body,
        grid=(pl.cdiv(VOCAB, rb),),
        in_specs=[pl.BlockSpec((DIM_EMB, rb), lambda i: (0, i)),
                  pl.BlockSpec((DIM_EMB, HID_PAD), lambda i: (0, 0))],
        out_specs=pl.BlockSpec((rb, HID_PAD), lambda i: (i, 0)),
        out_shape=jax.ShapeDtypeStruct((VOCAB, HID_PAD), jnp.float32),
    )(E_T, W_pad)


def _sc_body(ew_hbm, ids_hbm, out_hbm, ids_v, rows_v, out_v,
             s0, s1, s2, s3):
    wid = lax.axis_index("s") * NC + lax.axis_index("c")
    base = wid * BPW
    pltpu.sync_copy(ids_hbm.at[pl.ds(base, BPW)], ids_v)
    sems = (s0, s1, s2, s3)

    def start(b, j, slot):
        pltpu.async_copy(ew_hbm.at[ids_v.at[b, j]], rows_v.at[slot],
                         sems[slot])

    def wait(slot):
        pltpu.make_async_copy(ew_hbm.at[ids_v.at[0, 0]], rows_v.at[slot],
                              sems[slot]).wait()

    def accumulate(b, ka, kb):
        def inner(l, accs):
            new = list(accs)
            for k in (ka, kb):
                for ci in range(NV):
                    new[ci] = new[ci] + rows_v[k, l, pl.ds(16 * ci, 16)]
            return tuple(new)

        accs = lax.fori_loop(
            0, LH, inner,
            tuple(jnp.zeros((16,), jnp.float32) for _ in range(NV)),
            unroll=5)
        for ci in range(NV):
            out_v[b, pl.ds(16 * ci, 16)] = accs[ci]

    start(0, 0, 0)
    start(0, 1, 1)
    start(1, 0, 2)
    start(1, 1, 3)

    def body(i, carry):
        for half in range(2):
            b = 2 * i + half
            ka, kb = 2 * half, 2 * half + 1
            wait(ka)
            wait(kb)
            accumulate(b, ka, kb)

            @pl.when(b + 2 < BPW)
            def _():
                start(b + 2, 0, ka)
                start(b + 2, 1, kb)

        return carry

    lax.fori_loop(0, BPW // 2, body, 0)
    pltpu.sync_copy(out_v, out_hbm.at[pl.ds(base, BPW)])


_pooled_sc = pl.kernel(
    _sc_body,
    out_type=jax.ShapeDtypeStruct((B, HID_PAD), jnp.float32),
    mesh=plsc.VectorSubcoreMesh(core_axis_name="c", subcore_axis_name="s"),
    scratch_types=[
        pltpu.VMEM((BPW, 2, LH), jnp.int32),
        pltpu.VMEM((4, LH, HID_PAD), jnp.float32),
        pltpu.VMEM((BPW, HID_PAD), jnp.float32),
        pltpu.SemaphoreType.DMA,
        pltpu.SemaphoreType.DMA,
        pltpu.SemaphoreType.DMA,
        pltpu.SemaphoreType.DMA,
    ],
)


def _mlp_body(p_ref, bl_ref, w1_ref, b1_ref, w2_ref, b2_ref, w3_ref, b3_ref,
              wo_ref, bo_ref, o_ref):
    h = jnp.tanh(p_ref[...] + bl_ref[...])
    h = jnp.maximum(
        jnp.dot(h, w1_ref[...], preferred_element_type=jnp.float32)
        + b1_ref[...], 0.0)
    h = jnp.maximum(
        jnp.dot(h, w2_ref[...], preferred_element_type=jnp.float32)
        + b2_ref[...], 0.0)
    h = jnp.maximum(
        jnp.dot(h, w3_ref[...], preferred_element_type=jnp.float32)
        + b3_ref[...], 0.0)
    o_ref[...] = (jnp.dot(h, wo_ref[...], preferred_element_type=jnp.float32)
                  + bo_ref[...])


def _mlp(pooled, b_lower, W1, b1, W2, b2, W3, b3, W_out, b_out):
    def padw(w):
        return jnp.pad(w, ((0, HID_PAD - HID), (0, HID_PAD - HID)))

    def padb(b):
        return jnp.pad(b, (0, HID_PAD - HID)).reshape(1, HID_PAD)

    wo = jnp.pad(W_out, ((0, HID_PAD - HID), (0, HID_PAD - 2)))
    bo = jnp.pad(b_out, (0, HID_PAD - 2)).reshape(1, HID_PAD)
    out = pl.pallas_call(
        _mlp_body,
        out_shape=jax.ShapeDtypeStruct((B, HID_PAD), jnp.float32),
    )(pooled, padb(b_lower), padw(W1), padb(b1), padw(W2), padb(b2),
      padw(W3), padb(b3), wo, bo)
    return out[:, :2]


def kernel(u_ids, u_ids_mask, E, W_lower, b_lower, W1, b1, W2, b2, W3, b3,
           W_out, b_out):
    del u_ids_mask
    W_pad = jnp.pad(W_lower, ((0, 0), (0, HID_PAD - HID)))
    EW = _project_table(E.T, W_pad)
    ids = u_ids.astype(jnp.int32).reshape(B, 2, LH)
    pooled = _pooled_sc(EW, ids)
    return _mlp(pooled, b_lower, W1, b1, W2, b2, W3, b3, W_out, b_out)

# --- scband reference (transcript-rebuilt; emitter-appended) ---
"""Pipeline reference for scband-nbowfor-oc-s-offensive-33002528702759 (READ-ONLY COPY).

The authoritative reference and input builder live on the scoring server;
editing this copy changes nothing except your own understanding.
"""

import jax, jax.numpy as jnp
import numpy as np

VOCAB = 100000
DIM_EMB = 300
HID_DIM = 100
NUM_LABELS = 2
B, L = 4096, 200


def setup_inputs(seed: int = 0) -> dict:
    key = jax.random.key(seed)
    ks = jax.random.split(key, 12)
    u_ids = jax.random.randint(ks[0], (B, L), 0, VOCAB, dtype=jnp.int64) if jax.config.jax_enable_x64 else jax.random.randint(ks[0], (B, L), 0, VOCAB, dtype=jnp.int32)
    u_ids_mask = jnp.ones((B, L), dtype=jnp.float32)
    E = jax.random.normal(ks[1], (VOCAB, DIM_EMB), dtype=jnp.float32) * 0.02
    W_lower = jax.random.normal(ks[2], (DIM_EMB, HID_DIM), dtype=jnp.float32) * (1.0 / np.sqrt(DIM_EMB))
    b_lower = jnp.zeros((HID_DIM,), dtype=jnp.float32)
    W1 = jax.random.normal(ks[3], (HID_DIM, HID_DIM), dtype=jnp.float32) * (1.0 / np.sqrt(HID_DIM))
    b1 = jnp.zeros((HID_DIM,), dtype=jnp.float32)
    W2 = jax.random.normal(ks[4], (HID_DIM, HID_DIM), dtype=jnp.float32) * (1.0 / np.sqrt(HID_DIM))
    b2 = jnp.zeros((HID_DIM,), dtype=jnp.float32)
    W3 = jax.random.normal(ks[5], (HID_DIM, HID_DIM), dtype=jnp.float32) * (1.0 / np.sqrt(HID_DIM))
    b3 = jnp.zeros((HID_DIM,), dtype=jnp.float32)
    W_out = jax.random.normal(ks[6], (HID_DIM, NUM_LABELS), dtype=jnp.float32) * (1.0 / np.sqrt(HID_DIM))
    b_out = jnp.zeros((NUM_LABELS,), dtype=jnp.float32)
    return {"u_ids": u_ids, "u_ids_mask": u_ids_mask, "E": E,
            "W_lower": W_lower, "b_lower": b_lower,
            "W1": W1, "b1": b1, "W2": W2, "b2": b2, "W3": W3, "b3": b3,
            "W_out": W_out, "b_out": b_out}


def reference(u_ids, u_ids_mask, E, W_lower, b_lower, W1, b1, W2, b2, W3, b3, W_out, b_out):
    # Embedding lookup (gather)
    u_emb = jnp.take(E, u_ids, axis=0)  # [B, L, DIM_EMB]
    # Masked bag-of-words sum
    u_expanded_mask = u_ids_mask[:, :, None]  # broadcast over DIM_EMB
    u_sent_rep = jnp.sum(u_emb * u_expanded_mask, axis=1)  # [B, DIM_EMB]
    # lower + tanh
    u_sent_rep = jnp.tanh(u_sent_rep @ W_lower + b_lower)
    # dropout is identity at inference
    h = u_sent_rep
    h = jax.nn.relu(h @ W1 + b1)
    h = jax.nn.relu(h @ W2 + b2)
    h = jax.nn.relu(h @ W3 + b3)
    offensive_logits = h @ W_out + b_out  # [B, 2]
    return offensive_logits

if __name__ == "__main__":
    import jax
    _d = setup_inputs()
    print(jax.jit(kernel)(*tuple(_d.values())))

</pallas_src>

<mosaic_0001>
#map = affine_map<(d0, d1) -> (0, 0)>
#map1 = affine_map<(d0, d1) -> (0, 0, 0)>
module attributes {stable_mosaic.version = 14 : i64} {
  func.func @_sc_body(%arg0: i32, %arg1: i32, %arg2: memref<100000x128xf32, #tpu.memory_space<hbm>>, %arg3: memref<4096x2x100xi32, #tpu.memory_space<hbm>>, %arg4: memref<4096x128xf32, #tpu.memory_space<hbm>>, %arg5: memref<128x2x100xi32, #tpu.memory_space<vmem>>, %arg6: memref<4x100x128xf32, #tpu.memory_space<vmem>>, %arg7: memref<128x128xf32, #tpu.memory_space<vmem>>, %arg8: memref<!tpu.dma_semaphore, #tpu.memory_space<semaphore_mem>>, %arg9: memref<!tpu.dma_semaphore, #tpu.memory_space<semaphore_mem>>, %arg10: memref<!tpu.dma_semaphore, #tpu.memory_space<semaphore_mem>>, %arg11: memref<!tpu.dma_semaphore, #tpu.memory_space<semaphore_mem>>) attributes {dimension_semantics = [#tpu.dimension_semantics<core_parallel>, #tpu.dimension_semantics<subcore_parallel>], iteration_bounds = array<i64: 2, 16>, scalar_prefetch = 0 : i64, scratch_operands = 7 : i64, tpu.core_type = #tpu.core_type<sc_vector_subcore>, window_params = [{transform_indices = #map}, {transform_indices = #map1}, {transform_indices = #map}]} {
    %mul3A = arith.constant 2 : i32
    %mul3A_0 = arith.muli %arg1, %mul3A : i32
    %add3A = arith.addi %mul3A_0, %arg0 : i32
    %mul3A_1 = arith.constant 128 : i32
    %mul3A_2 = arith.muli %add3A, %mul3A_1 : i32
    "tpu.region"() ({
      %run_scoped3A = tpu.sem_alloc : memref<!tpu.dma_semaphore, #tpu.memory_space<semaphore_mem>>
      %dma_start3A_59 = arith.constant 0 : i32
      %dma_start3A_60 = arith.constant 0 : i32
      %dma_start3A_61 = tpu.memref_slice %arg3[%mul3A_2, %dma_start3A_59, %dma_start3A_60] : memref<4096x2x100xi32, #tpu.memory_space<hbm>> -> memref<128x2x100xi32, #tpu.memory_space<hbm>>
      %dma_start3A_62 = arith.constant 0 : i32
      %dma_start3A_63 = arith.constant 0 : i32
      %dma_start3A_64 = tpu.memref_slice %arg3[%mul3A_2, %dma_start3A_62, %dma_start3A_63] : memref<4096x2x100xi32, #tpu.memory_space<hbm>> -> memref<128x2x100xi32, #tpu.memory_space<hbm>>
      tpu.enqueue_dma source(%dma_start3A_64 : memref<128x2x100xi32, #tpu.memory_space<hbm>>) target(%arg5 : memref<128x2x100xi32, #tpu.memory_space<vmem>>) target_semaphore(%run_scoped3A : memref<!tpu.dma_semaphore, #tpu.memory_space<semaphore_mem>>)
      %dma_wait3A = arith.constant 0 : i32
      %dma_wait3A_65 = arith.constant 0 : i32
      %dma_wait3A_66 = tpu.memref_slice %arg3[%mul3A_2, %dma_wait3A, %dma_wait3A_65] : memref<4096x2x100xi32, #tpu.memory_space<hbm>> -> memref<128x2x100xi32, #tpu.memory_space<hbm>>
      %dma_wait3A_67 = arith.constant 0 : i32
      %dma_wait3A_68 = arith.constant 0 : i32
      %dma_wait3A_69 = tpu.memref_slice %arg3[%mul3A_2, %dma_wait3A_67, %dma_wait3A_68] : memref<4096x2x100xi32, #tpu.memory_space<hbm>> -> memref<128x2x100xi32, #tpu.memory_space<hbm>>
      tpu.wait_dma2 semaphore(%run_scoped3A : memref<!tpu.dma_semaphore, #tpu.memory_space<semaphore_mem>>) src(%dma_wait3A_69 : memref<128x2x100xi32, #tpu.memory_space<hbm>>) dst(%arg5 : memref<128x2x100xi32, #tpu.memory_space<vmem>>)
      tpu.yield
    }) : () -> ()
    %dma_start3A = arith.constant 0 : i32
    %dma_start3A_3 = arith.constant 0 : i32
    %dma_start3A_4 = arith.constant 0 : i32
    %dma_start3A_5 = arith.constant 0 : i32
    %dma_start3A_6 = arith.constant 0 : i32
    %dma_start3A_7 = tpu.memref_slice %arg6[%dma_start3A_4, %dma_start3A_5, %dma_start3A_6] : memref<4x100x128xf32, #tpu.memory_space<vmem>> -> memref<1x100x128xf32, #tpu.memory_space<vmem>>
    %dma_start3A_8 = tpu.memref_squeeze %dma_start3A_7 : memref<1x100x128xf32, #tpu.memory_space<vmem>> -> memref<100x128xf32, #tpu.memory_space<vmem>>
    %dma_start3A_9 = arith.constant 0 : i32
    %dma_start3A_10 = tpu.memref_slice %arg5[%dma_start3A, %dma_start3A_3, %dma_start3A_9] : memref<128x2x100xi32, #tpu.memory_space<vmem>> -> memref<1x1x100xi32, #tpu.memory_space<vmem>>
    %dma_start3A_11 = tpu.memref_squeeze %dma_start3A_10 : memref<1x1x100xi32, #tpu.memory_space<vmem>> -> memref<100xi32, #tpu.memory_space<vmem>>
    %dma_start3A_12 = arith.constant 0 : i32
    %dma_start3A_13 = arith.constant 0 : i32
    %dma_start3A_14 = tpu.memref_slice %arg2[%dma_start3A_12, %dma_start3A_13] : memref<100000x128xf32, #tpu.memory_space<hbm>> -> memref<100000x128xf32, #tpu.memory_space<hbm>>
    tpu.enqueue_indirect_dma source(%dma_start3A_14 : memref<100000x128xf32, #tpu.memory_space<hbm>>) target(%dma_start3A_8 : memref<100x128xf32, #tpu.memory_space<vmem>>) offsets(%dma_start3A_11 : memref<100xi32, #tpu.memory_space<vmem>>) semaphore(%arg8 : memref<!tpu.dma_semaphore, #tpu.memory_space<semaphore_mem>>)
    %dma_start3A_15 = arith.constant 0 : i32
    %dma_start3A_16 = arith.constant 1 : i32
    %dma_start3A_17 = arith.constant 1 : i32
    %dma_start3A_18 = arith.constant 0 : i32
    %dma_start3A_19 = arith.constant 0 : i32
    %dma_start3A_20 = tpu.memref_slice %arg6[%dma_start3A_17, %dma_start3A_18, %dma_start3A_19] : memref<4x100x128xf32, #tpu.memory_space<vmem>> -> memref<1x100x128xf32, #tpu.memory_space<vmem>>
    %dma_start3A_21 = tpu.memref_squeeze %dma_start3A_20 : memref<1x100x128xf32, #tpu.memory_space<vmem>> -> memref<100x128xf32, #tpu.memory_space<vmem>>
    %dma_start3A_22 = arith.constant 0 : i32
    %dma_start3A_23 = tpu.memref_slice %arg5[%dma_start3A_15, %dma_start3A_16, %dma_start3A_22] : memref<128x2x100xi32, #tpu.memory_space<vmem>> -> memref<1x1x100xi32, #tpu.memory_space<vmem>>
    %dma_start3A_24 = tpu.memref_squeeze %dma_start3A_23 : memref<1x1x100xi32, #tpu.memory_space<vmem>> -> memref<100xi32, #tpu.memory_space<vmem>>
    %dma_start3A_25 = arith.constant 0 : i32
    %dma_start3A_26 = arith.constant 0 : i32
    %dma_start3A_27 = tpu.memref_slice %arg2[%dma_start3A_25, %dma_start3A_26] : memref<100000x128xf32, #tpu.memory_space<hbm>> -> memref<100000x128xf32, #tpu.memory_space<hbm>>
    tpu.enqueue_indirect_dma source(%dma_start3A_27 : memref<100000x128xf32, #tpu.memory_space<hbm>>) target(%dma_start3A_21 : memref<100x128xf32, #tpu.memory_space<vmem>>) offsets(%dma_start3A_24 : memref<100xi32, #tpu.memory_space<vmem>>) semaphore(%arg9 : memref<!tpu.dma_semaphore, #tpu.memory_space<semaphore_mem>>)
    %dma_start3A_28 = arith.constant 1 : i32
    %dma_start3A_29 = arith.constant 0 : i32
    %dma_start3A_30 = arith.constant 2 : i32
    %dma_start3A_31 = arith.constant 0 : i32
    %dma_start3A_32 = arith.constant 0 : i32
    %dma_start3A_33 = tpu.memref_slice %arg6[%dma_start3A_30, %dma_start3A_31, %dma_start3A_32] : memref<4x100x128xf32, #tpu.memory_space<vmem>> -> memref<1x100x128xf32, #tpu.memory_space<vmem>>
    %dma_start3A_34 = tpu.memref_squeeze %dma_start3A_33 : memref<1x100x128xf32, #tpu.memory_space<vmem>> -> memref<100x128xf32, #tpu.memory_space<vmem>>
    %dma_start3A_35 = arith.constant 0 : i32
    %dma_start3A_36 = tpu.memref_slice %arg5[%dma_start3A_28, %dma_start3A_29, %dma_start3A_35] : memref<128x2x100xi32, #tpu.memory_space<vmem>> -> memref<1x1x100xi32, #tpu.memory_space<vmem>>
    %dma_start3A_37 = tpu.memref_squeeze %dma_start3A_36 : memref<1x1x100xi32, #tpu.memory_space<vmem>> -> memref<100xi32, #tpu.memory_space<vmem>>
    %dma_start3A_38 = arith.constant 0 : i32
    %dma_start3A_39 = arith.constant 0 : i32
    %dma_start3A_40 = tpu.memref_slice %arg2[%dma_start3A_38, %dma_start3A_39] : memref<100000x128xf32, #tpu.memory_space<hbm>> -> memref<100000x128xf32, #tpu.memory_space<hbm>>
    tpu.enqueue_indirect_dma source(%dma_start3A_40 : memref<100000x128xf32, #tpu.memory_space<hbm>>) target(%dma_start3A_34 : memref<100x128xf32, #tpu.memory_space<vmem>>) offsets(%dma_start3A_37 : memref<100xi32, #tpu.memory_space<vmem>>) semaphore(%arg10 : memref<!tpu.dma_semaphore, #tpu.memory_space<semaphore_mem>>)
    %dma_start3A_41 = arith.constant 1 : i32
    %dma_start3A_42 = arith.constant 1 : i32
    %dma_start3A_43 = arith.constant 3 : i32
    %dma_start3A_44 = arith.constant 0 : i32
    %dma_start3A_45 = arith.constant 0 : i32
    %dma_start3A_46 = tpu.memref_slice %arg6[%dma_start3A_43, %dma_start3A_44, %dma_start3A_45] : memref<4x100x128xf32, #tpu.memory_space<vmem>> -> memref<1x100x128xf32, #tpu.memory_space<vmem>>
    %dma_start3A_47 = tpu.memref_squeeze %dma_start3A_46 : memref<1x100x128xf32, #tpu.memory_space<vmem>> -> memref<100x128xf32, #tpu.memory_space<vmem>>
    %dma_start3A_48 = arith.constant 0 : i32
    %dma_start3A_49 = tpu.memref_slice %arg5[%dma_start3A_41, %dma_start3A_42, %dma_start3A_48] : memref<128x2x100xi32, #tpu.memory_space<vmem>> -> memref<1x1x100xi32, #tpu.memory_space<vmem>>
    %dma_start3A_50 = tpu.memref_squeeze %dma_start3A_49 : memref<1x1x100xi32, #tpu.memory_space<vmem>> -> memref<100xi32, #tpu.memory_space<vmem>>
    %dma_start3A_51 = arith.constant 0 : i32
    %dma_start3A_52 = arith.constant 0 : i32
    %dma_start3A_53 = tpu.memref_slice %arg2[%dma_start3A_51, %dma_start3A_52] : memref<100000x128xf32, #tpu.memory_space<hbm>> -> memref<100000x128xf32, #tpu.memory_space<hbm>>
    tpu.enqueue_indirect_dma source(%dma_start3A_53 : memref<100000x128xf32, #tpu.memory_space<hbm>>) target(%dma_start3A_47 : memref<100x128xf32, #tpu.memory_space<vmem>>) offsets(%dma_start3A_50 : memref<100xi32, #tpu.memory_space<vmem>>) semaphore(%arg11 : memref<!tpu.dma_semaphore, #tpu.memory_space<semaphore_mem>>)
    %scan3A = arith.constant 0 : i32
    %scan3A_54 = arith.constant 0 : i32
    %scan3A_55 = arith.constant 64 : i32
    %scan3A_56 = arith.addi %scan3A_54, %scan3A_55 : i32
    %scan3A_57 = arith.constant 1 : i32
    scf.for %scan3A_59 = %scan3A_54 to %scan3A_56 step %scan3A_57  : i32 {
      %mul3A_60 = arith.constant 2 : i32
      %mul3A_61 = arith.muli %mul3A_60, %scan3A_59 : i32
      %add3A_62 = arith.constant 0 : i32
      %add3A_63 = arith.addi %mul3A_61, %add3A_62 : i32
      %dma_wait3A = arith.constant 0 : i32
      %dma_wait3A_64 = arith.constant 0 : i32
      %dma_wait3A_65 = arith.constant 0 : i32
      %dma_wait3A_66 = arith.constant 0 : i32
      %dma_wait3A_67 = arith.constant 0 : i32
      %dma_wait3A_68 = tpu.memref_slice %arg6[%dma_wait3A_65, %dma_wait3A_66, %dma_wait3A_67] : memref<4x100x128xf32, #tpu.memory_space<vmem>> -> memref<1x100x128xf32, #tpu.memory_space<vmem>>
      %dma_wait3A_69 = tpu.memref_squeeze %dma_wait3A_68 : memref<1x100x128xf32, #tpu.memory_space<vmem>> -> memref<100x128xf32, #tpu.memory_space<vmem>>
      %dma_wait3A_70 = arith.constant 0 : i32
      %dma_wait3A_71 = tpu.memref_slice %arg5[%dma_wait3A, %dma_wait3A_64, %dma_wait3A_70] : memref<128x2x100xi32, #tpu.memory_space<vmem>> -> memref<1x1x100xi32, #tpu.memory_space<vmem>>
      %dma_wait3A_72 = tpu.memref_squeeze %dma_wait3A_71 : memref<1x1x100xi32, #tpu.memory_space<vmem>> -> memref<100xi32, #tpu.memory_space<vmem>>
      %dma_wait3A_73 = arith.constant 0 : i32
      %dma_wait3A_74 = arith.constant 0 : i32
      %dma_wait3A_75 = tpu.memref_slice %arg2[%dma_wait3A_73, %dma_wait3A_74] : memref<100000x128xf32, #tpu.memory_space<hbm>> -> memref<100000x128xf32, #tpu.memory_space<hbm>>
      tpu.wait_indirect_dma semaphore(%arg8 : memref<!tpu.dma_semaphore, #tpu.memory_space<semaphore_mem>>) src(%dma_wait3A_75 : memref<100000x128xf32, #tpu.memory_space<hbm>>) dst(%dma_wait3A_69 : memref<100x128xf32, #tpu.memory_space<vmem>>)
      %dma_wait3A_76 = arith.constant 0 : i32
      %dma_wait3A_77 = arith.constant 0 : i32
      %dma_wait3A_78 = arith.constant 1 : i32
      %dma_wait3A_79 = arith.constant 0 : i32
      %dma_wait3A_80 = arith.constant 0 : i32
      %dma_wait3A_81 = tpu.memref_slice %arg6[%dma_wait3A_78, %dma_wait3A_79, %dma_wait3A_80] : memref<4x100x128xf32, #tpu.memory_space<vmem>> -> memref<1x100x128xf32, #tpu.memory_space<vmem>>
      %dma_wait3A_82 = tpu.memref_squeeze %dma_wait3A_81 : memref<1x100x128xf32, #tpu.memory_space<vmem>> -> memref<100x128xf32, #tpu.memory_space<vmem>>
      %dma_wait3A_83 = arith.constant 0 : i32
      %dma_wait3A_84 = tpu.memref_slice %arg5[%dma_wait3A_76, %dma_wait3A_77, %dma_wait3A_83] : memref<128x2x100xi32, #tpu.memory_space<vmem>> -> memref<1x1x100xi32, #tpu.memory_space<vmem>>
      %dma_wait3A_85 = tpu.memref_squeeze %dma_wait3A_84 : memref<1x1x100xi32, #tpu.memory_space<vmem>> -> memref<100xi32, #tpu.memory_space<vmem>>
      %dma_wait3A_86 = arith.constant 0 : i32
      %dma_wait3A_87 = arith.constant 0 : i32
      %dma_wait3A_88 = tpu.memref_slice %arg2[%dma_wait3A_86, %dma_wait3A_87] : memref<100000x128xf32, #tpu.memory_space<hbm>> -> memref<100000x128xf32, #tpu.memory_space<hbm>>
      tpu.wait_indirect_dma semaphore(%arg9 : memref<!tpu.dma_semaphore, #tpu.memory_space<semaphore_mem>>) src(%dma_wait3A_88 : memref<100000x128xf32, #tpu.memory_space<hbm>>) dst(%dma_wait3A_82 : memref<100x128xf32, #tpu.memory_space<vmem>>)
      %broadcast_in_dim3A = arith.constant 0.000000e+00 : f32
      %broadcast_in_dim3A_89 = vector.broadcast %broadcast_in_dim3A : f32 to vector<16xf32>
      %broadcast_in_dim3A_90 = arith.constant 0.000000e+00 : f32
      %broadcast_in_dim3A_91 = vector.broadcast %broadcast_in_dim3A_90 : f32 to vector<16xf32>
      %broadcast_in_dim3A_92 = arith.constant 0.000000e+00 : f32
      %broadcast_in_dim3A_93 = vector.broadcast %broadcast_in_dim3A_92 : f32 to vector<16xf32>
      %broadcast_in_dim3A_94 = arith.constant 0.000000e+00 : f32
      %broadcast_in_dim3A_95 = vector.broadcast %broadcast_in_dim3A_94 : f32 to vector<16xf32>
      %broadcast_in_dim3A_96 = arith.constant 0.000000e+00 : f32
      %broadcast_in_dim3A_97 = vector.broadcast %broadcast_in_dim3A_96 : f32 to vector<16xf32>
      %broadcast_in_dim3A_98 = arith.constant 0.000000e+00 : f32
      %broadcast_in_dim3A_99 = vector.broadcast %broadcast_in_dim3A_98 : f32 to vector<16xf32>
      %broadcast_in_dim3A_100 = arith.constant 0.000000e+00 : f32
      %broadcast_in_dim3A_101 = vector.broadcast %broadcast_in_dim3A_100 : f32 to vector<16xf32>
      %broadcast_in_dim3A_102 = arith.constant 0.000000e+00 : f32
      %broadcast_in_dim3A_103 = vector.broadcast %broadcast_in_dim3A_102 : f32 to vector<16xf32>
      %scan3A_104 = arith.constant 0 : i32
      %scan3A_105 = arith.constant 100 : i32
      %scan3A_106 = arith.addi %scan3A_104, %scan3A_105 : i32
      %scan3A_107 = arith.constant 5 : i32
      %scan3A_108:8 = scf.for %scan3A_252 = %scan3A_104 to %scan3A_106 step %scan3A_107 iter_args(%scan3A_253 = %broadcast_in_dim3A_89, %scan3A_254 = %broadcast_in_dim3A_91, %scan3A_255 = %broadcast_in_dim3A_93, %scan3A_256 = %broadcast_in_dim3A_95, %scan3A_257 = %broadcast_in_dim3A_97, %scan3A_258 = %broadcast_in_dim3A_99, %scan3A_259 = %broadcast_in_dim3A_101, %scan3A_260 = %broadcast_in_dim3A_103) -> (vector<16xf32>, vector<16xf32>, vector<16xf32>, vector<16xf32>, vector<16xf32>, vector<16xf32>, vector<16xf32>, vector<16xf32>)  : i32 {
        %get3A = arith.constant 0 : i32
        %get3A_261 = arith.index_cast %get3A : i32 to index
        %get3A_262 = arith.index_cast %scan3A_252 : i32 to index
        %get3A_263 = arith.constant 0 : index
        %get3A_264 = tpu.vector_load %arg6[%get3A_261, %get3A_262, %get3A_263] {strides = array<i32>} : memref<4x100x128xf32, #tpu.memory_space<vmem>>, vector<1x1x16xf32>,
        %get3A_265 = vector.shape_cast %get3A_264 : vector<1x1x16xf32> to vector<16xf32>
        %add3A_266 = arith.addf %scan3A_253, %get3A_265 : vector<16xf32>
        %get3A_267 = arith.constant 0 : i32
        %get3A_268 = arith.index_cast %get3A_267 : i32 to index
        %get3A_269 = arith.index_cast %scan3A_252 : i32 to index
        %get3A_270 = arith.constant 16 : index
        %get3A_271 = tpu.vector_load %arg6[%get3A_268, %get3A_269, %get3A_270] {strides = array<i32>} : memref<4x100x128xf32, #tpu.memory_space<vmem>>, vector<1x1x16xf32>,
        %get3A_272 = vector.shape_cast %get3A_271 : vector<1x1x16xf32> to vector<16xf32>
        %add3A_273 = arith.addf %scan3A_254, %get3A_272 : vector<16xf32>
        %get3A_274 = arith.constant 0 : i32
        %get3A_275 = arith.index_cast %get3A_274 : i32 to index
        %get3A_276 = arith.index_cast %scan3A_252 : i32 to index
        %get3A_277 = arith.constant 32 : index
        %get3A_278 = tpu.vector_load %arg6[%get3A_275, %get3A_276, %get3A_277] {strides = array<i32>} : memref<4x100x128xf32, #tpu.memory_space<vmem>>, vector<1x1x16xf32>,
        %get3A_279 = vector.shape_cast %get3A_278 : vector<1x1x16xf32> to vector<16xf32>
        %add3A_280 = arith.addf %scan3A_255, %get3A_279 : vector<16xf32>
        %get3A_281 = arith.constant 0 : i32
        %get3A_282 = arith.index_cast %get3A_281 : i32 to index
        %get3A_283 = arith.index_cast %scan3A_252 : i32 to index
        %get3A_284 = arith.constant 48 : index
        %get3A_285 = tpu.vector_load %arg6[%get3A_282, %get3A_283, %get3A_284] {strides = array<i32>} : memref<4x100x128xf32, #tpu.memory_space<vmem>>, vector<1x1x16xf32>,
        %get3A_286 = vector.shape_cast %get3A_285 : vector<1x1x16xf32> to vector<16xf32>
        %add3A_287 = arith.addf %scan3A_256, %get3A_286 : vector<16xf32>
        %get3A_288 = arith.constant 0 : i32
        %get3A_289 = arith.index_cast %get3A_288 : i32 to index
        %get3A_290 = arith.index_cast %scan3A_252 : i32 to index
        %get3A_291 = arith.constant 64 : index
        %get3A_292 = tpu.vector_load %arg6[%get3A_289, %get3A_290, %get3A_291] {strides = array<i32>} : memref<4x100x128xf32, #tpu.memory_space<vmem>>, vector<1x1x16xf32>,
        %get3A_293 = vector.shape_cast %get3A_292 : vector<1x1x16xf32> to vector<16xf32>
        %add3A_294 = arith.addf %scan3A_257, %get3A_293 : vector<16xf32>
        %get3A_295 = arith.constant 0 : i32
        %get3A_296 = arith.index_cast %get3A_295 : i32 to index
        %get3A_297 = arith.index_cast %scan3A_252 : i32 to index
        %get3A_298 = arith.constant 80 : index
        %get3A_299 = tpu.vector_load %arg6[%get3A_296, %get3A_297, %get3A_298] {strides = array<i32>} : memref<4x100x128xf32, #tpu.memory_space<vmem>>, vector<1x1x16xf32>,
        %get3A_300 = vector.shape_cast %get3A_299 : vector<1x1x16xf32> to vector<16xf32>
        %add3A_301 = arith.addf %scan3A_258, %get3A_300 : vector<16xf32>
        %get3A_302 = arith.constant 0 : i32
        %get3A_303 = arith.index_cast %get3A_302 : i32 to index
        %get3A_304 = arith.index_cast %scan3A_252 : i32 to index
        %get3A_305 = arith.constant 96 : index
        %get3A_306 = tpu.vector_load %arg6[%get3A_303, %get3A_304, %get3A_305] {strides = array<i32>} : memref<4x100x128xf32, #tpu.memory_space<vmem>>, vector<1x1x16xf32>,
        %get3A_307 = vector.shape_cast %get3A_306 : vector<1x1x16xf32> to vector<16xf32>
        %add3A_308 = arith.addf %scan3A_259, %get3A_307 : vector<16xf32>
        %get3A_309 = arith.constant 0 : i32
        %get3A_310 = arith.index_cast %get3A_309 : i32 to index
        %get3A_311 = arith.index_cast %scan3A_252 : i32 to index
        %get3A_312 = arith.constant 112 : index
        %get3A_313 = tpu.vector_load %arg6[%get3A_310, %get3A_311, %get3A_312] {strides = array<i32>} : memref<4x100x128xf32, #tpu.memory_space<vmem>>, vector<1x1x16xf32>,
        %get3A_314 = vector.shape_cast %get3A_313 : vector<1x1x16xf32> to vector<16xf32>
        %add3A_315 = arith.addf %scan3A_260, %get3A_314 : vector<16xf32>
        %get3A_316 = arith.constant 1 : i32
        %get3A_317 = arith.index_cast %get3A_316 : i32 to index
        %get3A_318 = arith.index_cast %scan3A_252 : i32 to index
        %get3A_319 = arith.constant 0 : index
        %get3A_320 = tpu.vector_load %arg6[%get3A_317, %get3A_318, %get3A_319] {strides = array<i32>} : memref<4x100x128xf32, #tpu.memory_space<vmem>>, vector<1x1x16xf32>,
        %get3A_321 = vector.shape_cast %get3A_320 : vector<1x1x16xf32> to vector<16xf32>
        %add3A_322 = arith.addf %add3A_266, %get3A_321 : vector<16xf32>
        %get3A_323 = arith.constant 1 : i32
        %get3A_324 = arith.index_cast %get3A_323 : i32 to index
        %get3A_325 = arith.index_cast %scan3A_252 : i32 to index
        %get3A_326 = arith.constant 16 : index
        %get3A_327 = tpu.vector_load %arg6[%get3A_324, %get3A_325, %get3A_326] {strides = array<i32>} : memref<4x100x128xf32, #tpu.memory_space<vmem>>, vector<1x1x16xf32>,
        %get3A_328 = vector.shape_cast %get3A_327 : vector<1x1x16xf32> to vector<16xf32>
        %add3A_329 = arith.addf %add3A_273, %get3A_328 : vector<16xf32>
        %get3A_330 = arith.constant 1 : i32
        %get3A_331 = arith.index_cast %get3A_330 : i32 to index
        %get3A_332 = arith.index_cast %scan3A_252 : i32 to index
        %get3A_333 = arith.constant 32 : index
        %get3A_334 = tpu.vector_load %arg6[%get3A_331, %get3A_332, %get3A_333] {strides = array<i32>} : memref<4x100x128xf32, #tpu.memory_space<vmem>>, vector<1x1x16xf32>,
        %get3A_335 = vector.shape_cast %get3A_334 : vector<1x1x16xf32> to vector<16xf32>
        %add3A_336 = arith.addf %add3A_280, %get3A_335 : vector<16xf32>
        %get3A_337 = arith.constant 1 : i32
        %get3A_338 = arith.index_cast %get3A_337 : i32 to index
        %get3A_339 = arith.index_cast %scan3A_252 : i32 to index
        %get3A_340 = arith.constant 48 : index
        %get3A_341 = tpu.vector_load %arg6[%get3A_338, %get3A_339, %get3A_340] {strides = array<i32>} : memref<4x100x128xf32, #tpu.memory_space<vmem>>, vector<1x1x16xf32>,
        %get3A_342 = vector.shape_cast %get3A_341 : vector<1x1x16xf32> to vector<16xf32>
        %add3A_343 = arith.addf %add3A_287, %get3A_342 : vector<16xf32>
        %get3A_344 = arith.constant 1 : i32
        %get3A_345 = arith.index_cast %get3A_344 : i32 to index
        %get3A_346 = arith.index_cast %scan3A_252 : i32 to index
        %get3A_347 = arith.constant 64 : index
        %get3A_348 = tpu.vector_load %arg6[%get3A_345, %get3A_346, %get3A_347] {strides = array<i32>} : memref<4x100x128xf32, #tpu.memory_space<vmem>>, vector<1x1x16xf32>,
        %get3A_349 = vector.shape_cast %get3A_348 : vector<1x1x16xf32> to vector<16xf32>
        %add3A_350 = arith.addf %add3A_294, %get3A_349 : vector<16xf32>
        %get3A_351 = arith.constant 1 : i32
        %get3A_352 = arith.index_cast %get3A_351 : i32 to index
        %get3A_353 = arith.index_cast %scan3A_252 : i32 to index
        %get3A_354 = arith.constant 80 : index
        %get3A_355 = tpu.vector_load %arg6[%get3A_352, %get3A_353, %get3A_354] {strides = array<i32>} : memref<4x100x128xf32, #tpu.memory_space<vmem>>, vector<1x1x16xf32>,
        %get3A_356 = vector.shape_cast %get3A_355 : vector<1x1x16xf32> to vector<16xf32>
        %add3A_357 = arith.addf %add3A_301, %get3A_356 : vector<16xf32>
        %get3A_358 = arith.constant 1 : i32
        %get3A_359 = arith.index_cast %get3A_358 : i32 to index
        %get3A_360 = arith.index_cast %scan3A_252 : i32 to index
        %get3A_361 = arith.constant 96 : index
        %get3A_362 = tpu.vector_load %arg6[%get3A_359, %get3A_360, %get3A_361] {strides = array<i32>} : memref<4x100x128xf32, #tpu.memory_space<vmem>>, vector<1x1x16xf32>,
        %get3A_363 = vector.shape_cast %get3A_362 : vector<1x1x16xf32> to vector<16xf32>
        %add3A_364 = arith.addf %add3A_308, %get3A_363 : vector<16xf32>
        %get3A_365 = arith.constant 1 : i32
        %get3A_366 = arith.index_cast %get3A_365 : i32 to index
        %get3A_367 = arith.index_cast %scan3A_252 : i32 to index
        %get3A_368 = arith.constant 112 : index
        %get3A_369 = tpu.vector_load %arg6[%get3A_366, %get3A_367, %get3A_368] {strides = array<i32>} : memref<4x100x128xf32, #tpu.memory_space<vmem>>, vector<1x1x16xf32>,
        %get3A_370 = vector.shape_cast %get3A_369 : vector<1x1x16xf32> to vector<16xf32>
        %add3A_371 = arith.addf %add3A_315, %get3A_370 : vector<16xf32>
        %scan3A_372 = arith.constant 1 : i32
        %scan3A_373 = arith.addi %scan3A_252, %scan3A_372 : i32
        %get3A_374 = arith.constant 0 : i32
        %get3A_375 = arith.index_cast %get3A_374 : i32 to index
        %get3A_376 = arith.index_cast %scan3A_373 : i32 to index
        %get3A_377 = arith.constant 0 : index
        %get3A_378 = tpu.vector_load %arg6[%get3A_375, %get3A_376, %get3A_377] {strides = array<i32>} : memref<4x100x128xf32, #tpu.memory_space<vmem>>, vector<1x1x16xf32>,
        %get3A_379 = vector.shape_cast %get3A_378 : vector<1x1x16xf32> to vector<16xf32>
        %add3A_380 = arith.addf %add3A_322, %get3A_379 : vector<16xf32>
        %get3A_381 = arith.constant 0 : i32
        %get3A_382 = arith.index_cast %get3A_381 : i32 to index
        %get3A_383 = arith.index_cast %scan3A_373 : i32 to index
        %get3A_384 = arith.constant 16 : index
        %get3A_385 = tpu.vector_load %arg6[%get3A_382, %get3A_383, %get3A_384] {strides = array<i32>} : memref<4x100x128xf32, #tpu.memory_space<vmem>>, vector<1x1x16xf32>,
        %get3A_386 = vector.shape_cast %get3A_385 : vector<1x1x16xf32> to vector<16xf32>
        %add3A_387 = arith.addf %add3A_329, %get3A_386 : vector<16xf32>
        %get3A_388 = arith.constant 0 : i32
        %get3A_389 = arith.index_cast %get3A_388 : i32 to index
        %get3A_390 = arith.index_cast %scan3A_373 : i32 to index
        %get3A_391 = arith.constant 32 : index
        %get3A_392 = tpu.vector_load %arg6[%get3A_389, %get3A_390, %get3A_391] {strides = array<i32>} : memref<4x100x128xf32, #tpu.memory_space<vmem>>, vector<1x1x16xf32>,
        %get3A_393 = vector.shape_cast %get3A_392 : vector<1x1x16xf32> to vector<16xf32>
        %add3A_394 = arith.addf %add3A_336, %get3A_393 : vector<16xf32>
        %get3A_395 = arith.constant 0 : i32
        %get3A_396 = arith.index_cast %get3A_395 : i32 to index
        %get3A_397 = arith.index_cast %scan3A_373 : i32 to index
        %get3A_398 = arith.constant 48 : index
        %get3A_399 = tpu.vector_load %arg6[%get3A_396, %get3A_397, %get3A_398] {strides = array<i32>} : memref<4x100x128xf32, #tpu.memory_space<vmem>>, vector<1x1x16xf32>,
        %get3A_400 = vector.shape_cast %get3A_399 : vector<1x1x16xf32> to vector<16xf32>
        %add3A_401 = arith.addf %add3A_343, %get3A_400 : vector<16xf32>
        %get3A_402 = arith.constant 0 : i32
        %get3A_403 = arith.index_cast %get3A_402 : i32 to index
        %get3A_404 = arith.index_cast %scan3A_373 : i32 to index
        %get3A_405 = arith.constant 64 : index
        %get3A_406 = tpu.vector_load %arg6[%get3A_403, %get3A_404, %get3A_405] {strides = array<i32>} : memref<4x100x128xf32, #tpu.memory_space<vmem>>, vector<1x1x16xf32>,
        %get3A_407 = vector.shape_cast %get3A_406 : vector<1x1x16xf32> to vector<16xf32>
        %add3A_408 = arith.addf %add3A_350, %get3A_407 : vector<16xf32>
        %get3A_409 = arith.constant 0 : i32
        %get3A_410 = arith.index_cast %get3A_409 : i32 to index
        %get3A_411 = arith.index_cast %scan3A_373 : i32 to index
        %get3A_412 = arith.constant 80 : index
        %get3A_413 = tpu.vector_load %arg6[%get3A_410, %get3A_411, %get3A_412] {strides = array<i32>} : memref<4x100x128xf32, #tpu.memory_space<vmem>>, vector<1x1x16xf32>,
        %get3A_414 = vector.shape_cast %get3A_413 : vector<1x1x16xf32> to vector<16xf32>
        %add3A_415 = arith.addf %add3A_357, %get3A_414 : vector<16xf32>
        %get3A_416 = arith.constant 0 : i32
        %get3A_417 = arith.index_cast %get3A_416 : i32 to index
        %get3A_418 = arith.index_cast %scan3A_373 : i32 to index
        %get3A_419 = arith.constant 96 : index
        %get3A_420 = tpu.vector_load %arg6[%get3A_417, %get3A_418, %get3A_419] {strides = array<i32>} : memref<4x100x128xf32, #tpu.memory_space<vmem>>, vector<1x1x16xf32>,
        %get3A_421 = vector.shape_cast %get3A_420 : vector<1x1x16xf32> to vector<16xf32>
        %add3A_422 = arith.addf %add3A_364, %get3A_421 : vector<16xf32>
        %get3A_423 = arith.constant 0 : i32
        %get3A_424 = arith.index_cast %get3A_423 : i32 to index
        %get3A_425 = arith.index_cast %scan3A_373 : i32 to index
        %get3A_426 = arith.constant 112 : index
        %get3A_427 = tpu.vector_load %arg6[%get3A_424, %get3A_425, %get3A_426] {strides = array<i32>} : memref<4x100x128xf32, #tpu.memory_space<vmem>>, vector<1x1x16xf32>,
        %get3A_428 = vector.shape_cast %get3A_427 : vector<1x1x16xf32> to vector<16xf32>
        %add3A_429 = arith.addf %add3A_371, %get3A_428 : vector<16xf32>
        %get3A_430 = arith.constant 1 : i32
        %get3A_431 = arith.index_cast %get3A_430 : i32 to index
        %get3A_432 = arith.index_cast %scan3A_373 : i32 to index
        %get3A_433 = arith.constant 0 : index
        %get3A_434 = tpu.vector_load %arg6[%get3A_431, %get3A_432, %get3A_433] {strides = array<i32>} : memref<4x100x128xf32, #tpu.memory_space<vmem>>, vector<1x1x16xf32>,
        %get3A_435 = vector.shape_cast %get3A_434 : vector<1x1x16xf32> to vector<16xf32>
        %add3A_436 = arith.addf %add3A_380, %get3A_435 : vector<16xf32>
        %get3A_437 = arith.constant 1 : i32
        %get3A_438 = arith.index_cast %get3A_437 : i32 to index
        %get3A_439 = arith.index_cast %scan3A_373 : i32 to index
        %get3A_440 = arith.constant 16 : index
        %get3A_441 = tpu.vector_load %arg6[%get3A_438, %get3A_439, %get3A_440] {strides = array<i32>} : memref<4x100x128xf32, #tpu.memory_space<vmem>>, vector<1x1x16xf32>,
        %get3A_442 = vector.shape_cast %get3A_441 : vector<1x1x16xf32> to vector<16xf32>
        %add3A_443 = arith.addf %add3A_387, %get3A_442 : vector<16xf32>
        %get3A_444 = arith.constant 1 : i32
        %get3A_445 = arith.index_cast %get3A_444 : i32 to index
        %get3A_446 = arith.index_cast %scan3A_373 : i32 to index
        %get3A_447 = arith.constant 32 : index
        %get3A_448 = tpu.vector_load %arg6[%get3A_445, %get3A_446, %get3A_447] {strides = array<i32>} : memref<4x100x128xf32, #tpu.memory_space<vmem>>, vector<1x1x16xf32>,
        %get3A_449 = vector.shape_cast %get3A_448 : vector<1x1x16xf32> to vector<16xf32>
        %add3A_450 = arith.addf %add3A_394, %get3A_449 : vector<16xf32>
        %get3A_451 = arith.constant 1 : i32
        %get3A_452 = arith.index_cast %get3A_451 : i32 to index
        %get3A_453 = arith.index_cast %scan3A_373 : i32 to index
        %get3A_454 = arith.constant 48 : index
        %get3A_455 = tpu.vector_load %arg6[%get3A_452, %get3A_453, %get3A_454] {strides = array<i32>} : memref<4x100x128xf32, #tpu.memory_space<vmem>>, vector<1x1x16xf32>,
        %get3A_456 = vector.shape_cast %get3A_455 : vector<1x1x16xf32> to vector<16xf32>
        %add3A_457 = arith.addf %add3A_401, %get3A_456 : vector<16xf32>
        %get3A_458 = arith.constant 1 : i32
        %get3A_459 = arith.index_cast %get3A_458 : i32 to index
        %get3A_460 = arith.index_cast %scan3A_373 : i32 to index
        %get3A_461 = arith.constant 64 : index
        %get3A_462 = tpu.vector_load %arg6[%get3A_459, %get3A_460, %get3A_461] {strides = array<i32>} : memref<4x100x128xf32, #tpu.memory_space<vmem>>, vector<1x1x16xf32>,
        %get3A_463 = vector.shape_cast %get3A_462 : vector<1x1x16xf32> to vector<16xf32>
        %add3A_464 = arith.addf %add3A_408, %get3A_463 : vector<16xf32>
        %get3A_465 = arith.constant 1 : i32
        %get3A_466 = arith.index_cast %get3A_465 : i32 to index
        %get3A_467 = arith.index_cast %scan3A_373 : i32 to index
        %get3A_468 = arith.constant 80 : index
        %get3A_469 = tpu.vector_load %arg6[%get3A_466, %get3A_467, %get3A_468] {strides = array<i32>} : memref<4x100x128xf32, #tpu.memory_space<vmem>>, vector<1x1x16xf32>,
        %get3A_470 = vector.shape_cast %get3A_469 : vector<1x1x16xf32> to vector<16xf32>
        %add3A_471 = arith.addf %add3A_415, %get3A_470 : vector<16xf32>
        %get3A_472 = arith.constant 1 : i32
        %get3A_473 = arith.index_cast %get3A_472 : i32 to index
        %get3A_474 = arith.index_cast %scan3A_373 : i32 to index
        %get3A_475 = arith.constant 96 : index
        %get3A_476 = tpu.vector_load %arg6[%get3A_473, %get3A_474, %get3A_475] {strides = array<i32>} : memref<4x100x128xf32, #tpu.memory_space<vmem>>, vector<1x1x16xf32>,
        %get3A_477 = vector.shape_cast %get3A_476 : vector<1x1x16xf32> to vector<16xf32>
        %add3A_478 = arith.addf %add3A_422, %get3A_477 : vector<16xf32>
        %get3A_479 = arith.constant 1 : i32
        %get3A_480 = arith.index_cast %get3A_479 : i32 to index
        %get3A_481 = arith.index_cast %scan3A_373 : i32 to index
        %get3A_482 = arith.constant 112 : index
        %get3A_483 = tpu.vector_load %arg6[%get3A_480, %get3A_481, %get3A_482] {strides = array<i32>} : memref<4x100x128xf32, #tpu.memory_space<vmem>>, vector<1x1x16xf32>,
        %get3A_484 = vector.shape_cast %get3A_483 : vector<1x1x16xf32> to vector<16xf32>
        %add3A_485 = arith.addf %add3A_429, %get3A_484 : vector<16xf32>
        %scan3A_486 = arith.constant 2 : i32
        %scan3A_487 = arith.addi %scan3A_252, %scan3A_486 : i32
        %get3A_488 = arith.constant 0 : i32
        %get3A_489 = arith.index_cast %get3A_488 : i32 to index
        %get3A_490 = arith.index_cast %scan3A_487 : i32 to index
        %get3A_491 = arith.constant 0 : index
        %get3A_492 = tpu.vector_load %arg6[%get3A_489, %get3A_490, %get3A_491] {strides = array<i32>} : memref<4x100x128xf32, #tpu.memory_space<vmem>>, vector<1x1x16xf32>,
        %get3A_493 = vector.shape_cast %get3A_492 : vector<1x1x16xf32> to vector<16xf32>
        %add3A_494 = arith.addf %add3A_436, %get3A_493 : vector<16xf32>
        %get3A_495 = arith.constant 0 : i32
        %get3A_496 = arith.index_cast %get3A_495 : i32 to index
        %get3A_497 = arith.index_cast %scan3A_487 : i32 to index
        %get3A_498 = arith.constant 16 : index
        %get3A_499 = tpu.vector_load %arg6[%get3A_496, %get3A_497, %get3A_498] {strides = array<i32>} : memref<4x100x128xf32, #tpu.memory_space<vmem>>, vector<1x1x16xf32>,
        %get3A_500 = vector.shape_cast %get3A_499 : vector<1x1x16xf32> to vector<16xf32>
        %add3A_501 = arith.addf %add3A_443, %get3A_500 : vector<16xf32>
        %get3A_502 = arith.constant 0 : i32
        %get3A_503 = arith.index_cast %get3A_502 : i32 to index
        %get3A_504 = arith.index_cast %scan3A_487 : i32 to index
        %get3A_505 = arith.constant 32 : index
        %get3A_506 = tpu.vector_load %arg6[%get3A_503, %get3A_504, %get3A_505] {strides = array<i32>} : memref<4x100x128xf32, #tpu.memory_space<vmem>>, vector<1x1x16xf32>,
        %get3A_507 = vector.shape_cast %get3A_506 : vector<1x1x16xf32> to vector<16xf32>
        %add3A_508 = arith.addf %add3A_450, %get3A_507 : vector<16xf32>
        %get3A_509 = arith.constant 0 : i32
        %get3A_510 = arith.index_cast %get3A_509 : i32 to index
        %get3A_511 = arith.index_cast %scan3A_487 : i32 to index
        %get3A_512 = arith.constant 48 : index
        %get3A_513 = tpu.vector_load %arg6[%get3A_510, %get3A_511, %get3A_512] {strides = array<i32>} : memref<4x100x128xf32, #tpu.memory_space<vmem>>, vector<1x1x16xf32>,
        %get3A_514 = vector.shape_cast %get3A_513 : vector<1x1x16xf32> to vector<16xf32>
        %add3A_515 = arith.addf %add3A_457, %get3A_514 : vector<16xf32>
        %get3A_516 = arith.constant 0 : i32
        %get3A_517 = arith.index_cast %get3A_516 : i32 to index
        %get3A_518 = arith.index_cast %scan3A_487 : i32 to index
        %get3A_519 = arith.constant 64 : index
        %get3A_520 = tpu.vector_load %arg6[%get3A_517, %get3A_518, %get3A_519] {strides = array<i32>} : memref<4x100x128xf32, #tpu.memory_space<vmem>>, vector<1x1x16xf32>,
        %get3A_521 = vector.shape_cast %get3A_520 : vector<1x1x16xf32> to vector<16xf32>
        %add3A_522 = arith.addf %add3A_464, %get3A_521 : vector<16xf32>
        %get3A_523 = arith.constant 0 : i32
        %get3A_524 = arith.index_cast %get3A_523 : i32 to index
        %get3A_525 = arith.index_cast %scan3A_487 : i32 to index
        %get3A_526 = arith.constant 80 : index
        %get3A_527 = tpu.vector_load %arg6[%get3A_524, %get3A_525, %get3A_526] {strides = array<i32>} : memref<4x100x128xf32, #tpu.memory_space<vmem>>, vector<1x1x16xf32>,
        %get3A_528 = vector.shape_cast %get3A_527 : vector<1x1x16xf32> to vector<16xf32>
        %add3A_529 = arith.addf %add3A_471, %get3A_528 : vector<16xf32>
        %get3A_530 = arith.constant 0 : i32
        %get3A_531 = arith.index_cast %get3A_530 : i32 to index
        %get3A_532 = arith.index_cast %scan3A_487 : i32 to index
        %get3A_533 = arith.constant 96 : index
        %get3A_534 = tpu.vector_load %arg6[%get3A_531, %get3A_532, %get3A_533] {strides = array<i32>} : memref<4x100x128xf32, #tpu.memory_space<vmem>>, vector<1x1x16xf32>,
        %get3A_535 = vector.shape_cast %get3A_534 : vector<1x1x16xf32> to vector<16xf32>
        %add3A_536 = arith.addf %add3A_478, %get3A_535 : vector<16xf32>
        %get3A_537 = arith.constant 0 : i32
        %get3A_538 = arith.index_cast %get3A_537 : i32 to index
        %get3A_539 = arith.index_cast %scan3A_487 : i32 to index
        %get3A_540 = arith.constant 112 : index
        %get3A_541 = tpu.vector_load %arg6[%get3A_538, %get3A_539, %get3A_540] {strides = array<i32>} : memref<4x100x128xf32, #tpu.memory_space<vmem>>, vector<1x1x16xf32>,
        %get3A_542 = vector.shape_cast %get3A_541 : vector<1x1x16xf32> to vector<16xf32>
        %add3A_543 = arith.addf %add3A_485, %get3A_542 : vector<16xf32>
        %get3A_544 = arith.constant 1 : i32
        %get3A_545 = arith.index_cast %get3A_544 : i32 to index
        %get3A_546 = arith.index_cast %scan3A_487 : i32 to index
        %get3A_547 = arith.constant 0 : index
        %get3A_548 = tpu.vector_load %arg6[%get3A_545, %get3A_546, %get3A_547] {strides = array<i32>} : memref<4x100x128xf32, #tpu.memory_space<vmem>>, vector<1x1x16xf32>,
        %get3A_549 = vector.shape_cast %get3A_548 : vector<1x1x16xf32> to vector<16xf32>
        %add3A_550 = arith.addf %add3A_494, %get3A_549 : vector<16xf32>
        %get3A_551 = arith.constant 1 : i32
        %get3A_552 = arith.index_cast %get3A_551 : i32 to index
        %get3A_553 = arith.index_cast %scan3A_487 : i32 to index
        %get3A_554 = arith.constant 16 : index
        %get3A_555 = tpu.vector_load %arg6[%get3A_552, %get3A_553, %get3A_554] {strides = array<i32>} : memref<4x100x128xf32, #tpu.memory_space<vmem>>, vector<1x1x16xf32>,
        %get3A_556 = vector.shape_cast %get3A_555 : vector<1x1x16xf32> to vector<16xf32>
        %add3A_557 = arith.addf %add3A_501, %get3A_556 : vector<16xf32>
        %get3A_558 = arith.constant 1 : i32
        %get3A_559 = arith.index_cast %get3A_558 : i32 to index
        %get3A_560 = arith.index_cast %scan3A_487 : i32 to index
        %get3A_561 = arith.constant 32 : index
        %get3A_562 = tpu.vector_load %arg6[%get3A_559, %get3A_560, %get3A_561] {strides = array<i32>} : memref<4x100x128xf32, #tpu.memory_space<vmem>>, vector<1x1x16xf32>,
        %get3A_563 = vector.shape_cast %get3A_562 : vector<1x1x16xf32> to vector<16xf32>
        %add3A_564 = arith.addf %add3A_508, %get3A_563 : vector<16xf32>
        %get3A_565 = arith.constant 1 : i32
        %get3A_566 = arith.index_cast %get3A_565 : i32 to index
        %get3A_567 = arith.index_cast %scan3A_487 : i32 to index
        %get3A_568 = arith.constant 48 : index
        %get3A_569 = tpu.vector_load %arg6[%get3A_566, %get3A_567, %get3A_568] {strides = array<i32>} : memref<4x100x128xf32, #tpu.memory_space<vmem>>, vector<1x1x16xf32>,
        %get3A_570 = vector.shape_cast %get3A_569 : vector<1x1x16xf32> to vector<16xf32>
        %add3A_571 = arith.addf %add3A_515, %get3A_570 : vector<16xf32>
        %get3A_572 = arith.constant 1 : i32
        %get3A_573 = arith.index_cast %get3A_572 : i32 to index
        %get3A_574 = arith.index_cast %scan3A_487 : i32 to index
        %get3A_575 = arith.constant 64 : index
        %get3A_576 = tpu.vector_load %arg6[%get3A_573, %get3A_574, %get3A_575] {strides = array<i32>} : memref<4x100x128xf32, #tpu.memory_space<vmem>>, vector<1x1x16xf32>,
        %get3A_577 = vector.shape_cast %get3A_576 : vector<1x1x16xf32> to vector<16xf32>
        %add3A_578 = arith.addf %add3A_522, %get3A_577 : vector<16xf32>
        %get3A_579 = arith.constant 1 : i32
        %get3A_580 = arith.index_cast %get3A_579 : i32 to index
        %get3A_581 = arith.index_cast %scan3A_487 : i32 to index
        %get3A_582 = arith.constant 80 : index
        %get3A_583 = tpu.vector_load %arg6[%get3A_580, %get3A_581, %get3A_582] {strides = array<i32>} : memref<4x100x128xf32, #tpu.memory_space<vmem>>, vector<1x1x16xf32>,
        %get3A_584 = vector.shape_cast %get3A_583 : vector<1x1x16xf32> to vector<16xf32>
        %add3A_585 = arith.addf %add3A_529, %get3A_584 : vector<16xf32>
        %get3A_586 = arith.constant 1 : i32
        %get3A_587 = arith.index_cast %get3A_586 : i32 to index
        %get3A_588 = arith.index_cast %scan3A_487 : i32 to index
        %get3A_589 = arith.constant 96 : index
        %get3A_590 = tpu.vector_load %arg6[%get3A_587, %get3A_588, %get3A_589] {strides = array<i32>} : memref<4x100x128xf32, #tpu.memory_space<vmem>>, vector<1x1x16xf32>,
        %get3A_591 = vector.shape_cast %get3A_590 : vector<1x1x16xf32> to vector<16xf32>
        %add3A_592 = arith.addf %add3A_536, %get3A_591 : vector<16xf32>
        %get3A_593 = arith.constant 1 : i32
        %get3A_594 = arith.index_cast %get3A_593 : i32 to index
        %get3A_595 = arith.index_cast %scan3A_487 : i32 to index
        %get3A_596 = arith.constant 112 : index
        %get3A_597 = tpu.vector_load %arg6[%get3A_594, %get3A_595, %get3A_596] {strides = array<i32>} : memref<4x100x128xf32, #tpu.memory_space<vmem>>, vector<1x1x16xf32>,
        %get3A_598 = vector.shape_cast %get3A_597 : vector<1x1x16xf32> to vector<16xf32>
        %add3A_599 = arith.addf %add3A_543, %get3A_598 : vector<16xf32>
        %scan3A_600 = arith.constant 3 : i32
        %scan3A_601 = arith.addi %scan3A_252, %scan3A_600 : i32
        %get3A_602 = arith.constant 0 : i32
        %get3A_603 = arith.index_cast %get3A_602 : i32 to index
        %get3A_604 = arith.index_cast %scan3A_601 : i32 to index
        %get3A_605 = arith.constant 0 : index
        %get3A_606 = tpu.vector_load %arg6[%get3A_603, %get3A_604, %get3A_605] {strides = array<i32>} : memref<4x100x128xf32, #tpu.memory_space<vmem>>, vector<1x1x16xf32>,
        %get3A_607 = vector.shape_cast %get3A_606 : vector<1x1x16xf32> to vector<16xf32>
        %add3A_608 = arith.addf %add3A_550, %get3A_607 : vector<16xf32>
        %get3A_609 = arith.constant 0 : i32
        %get3A_610 = arith.index_cast %get3A_609 : i32 to index
        %get3A_611 = arith.index_cast %scan3A_601 : i32 to index
        %get3A_612 = arith.constant 16 : index
        %get3A_613 = tpu.vector_load %arg6[%get3A_610, %get3A_611, %get3A_612] {strides = array<i32>} : memref<4x100x128xf32, #tpu.memory_space<vmem>>, vector<1x1x16xf32>,
        %get3A_614 = vector.shape_cast %get3A_613 : vector<1x1x16xf32> to vector<16xf32>
        %add3A_615 = arith.addf %add3A_557, %get3A_614 : vector<16xf32>
        %get3A_616 = arith.constant 0 : i32
        %get3A_617 = arith.index_cast %get3A_616 : i32 to index
        %get3A_618 = arith.index_cast %scan3A_601 : i32 to index
        %get3A_619 = arith.constant 32 : index
        %get3A_620 = tpu.vector_load %arg6[%get3A_617, %get3A_618, %get3A_619] {strides = array<i32>} : memref<4x100x128xf32, #tpu.memory_space<vmem>>, vector<1x1x16xf32>,
        %get3A_621 = vector.shape_cast %get3A_620 : vector<1x1x16xf32> to vector<16xf32>
        %add3A_622 = arith.addf %add3A_564, %get3A_621 : vector<16xf32>
        %get3A_623 = arith.constant 0 : i32
        %get3A_624 = arith.index_cast %get3A_623 : i32 to index
        %get3A_625 = arith.index_cast %scan3A_601 : i32 to index
        %get3A_626 = arith.constant 48 : index
        %get3A_627 = tpu.vector_load %arg6[%get3A_624, %get3A_625, %get3A_626] {strides = array<i32>} : memref<4x100x128xf32, #tpu.memory_space<vmem>>, vector<1x1x16xf32>,
        %get3A_628 = vector.shape_cast %get3A_627 : vector<1x1x16xf32> to vector<16xf32>
        %add3A_629 = arith.addf %add3A_571, %get3A_628 : vector<16xf32>
        %get3A_630 = arith.constant 0 : i32
        %get3A_631 = arith.index_cast %get3A_630 : i32 to index
        %get3A_632 = arith.index_cast %scan3A_601 : i32 to index
        %get3A_633 = arith.constant 64 : index
        %get3A_634 = tpu.vector_load %arg6[%get3A_631, %get3A_632, %get3A_633] {strides = array<i32>} : memref<4x100x128xf32, #tpu.memory_space<vmem>>, vector<1x1x16xf32>,
        %get3A_635 = vector.shape_cast %get3A_634 : vector<1x1x16xf32> to vector<16xf32>
        %add3A_636 = arith.addf %add3A_578, %get3A_635 : vector<16xf32>
        %get3A_637 = arith.constant 0 : i32
        %get3A_638 = arith.index_cast %get3A_637 : i32 to index
        %get3A_639 = arith.index_cast %scan3A_601 : i32 to index
        %get3A_640 = arith.constant 80 : index
        %get3A_641 = tpu.vector_load %arg6[%get3A_638, %get3A_639, %get3A_640] {strides = array<i32>} : memref<4x100x128xf32, #tpu.memory_space<vmem>>, vector<1x1x16xf32>,
        %get3A_642 = vector.shape_cast %get3A_641 : vector<1x1x16xf32> to vector<16xf32>
        %add3A_643 = arith.addf %add3A_585, %get3A_642 : vector<16xf32>
        %get3A_644 = arith.constant 0 : i32
        %get3A_645 = arith.index_cast %get3A_644 : i32 to index
        %get3A_646 = arith.index_cast %scan3A_601 : i32 to index
        %get3A_647 = arith.constant 96 : index
        %get3A_648 = tpu.vector_load %arg6[%get3A_645, %get3A_646, %get3A_647] {strides = array<i32>} : memref<4x100x128xf32, #tpu.memory_space<vmem>>, vector<1x1x16xf32>,
        %get3A_649 = vector.shape_cast %get3A_648 : vector<1x1x16xf32> to vector<16xf32>
        %add3A_650 = arith.addf %add3A_592, %get3A_649 : vector<16xf32>
        %get3A_651 = arith.constant 0 : i32
        %get3A_652 = arith.index_cast %get3A_651 : i32 to index
        %get3A_653 = arith.index_cast %scan3A_601 : i32 to index
        %get3A_654 = arith.constant 112 : index
        %get3A_655 = tpu.vector_load %arg6[%get3A_652, %get3A_653, %get3A_654] {strides = array<i32>} : memref<4x100x128xf32, #tpu.memory_space<vmem>>, vector<1x1x16xf32>,
        %get3A_656 = vector.shape_cast %get3A_655 : vector<1x1x16xf32> to vector<16xf32>
        %add3A_657 = arith.addf %add3A_599, %get3A_656 : vector<16xf32>
        %get3A_658 = arith.constant 1 : i32
        %get3A_659 = arith.index_cast %get3A_658 : i32 to index
        %get3A_660 = arith.index_cast %scan3A_601 : i32 to index
        %get3A_661 = arith.constant 0 : index
        %get3A_662 = tpu.vector_load %arg6[%get3A_659, %get3A_660, %get3A_661] {strides = array<i32>} : memref<4x100x128xf32, #tpu.memory_space<vmem>>, vector<1x1x16xf32>,
        %get3A_663 = vector.shape_cast %get3A_662 : vector<1x1x16xf32> to vector<16xf32>
        %add3A_664 = arith.addf %add3A_608, %get3A_663 : vector<16xf32>
        %get3A_665 = arith.constant 1 : i32
        %get3A_666 = arith.index_cast %get3A_665 : i32 to index
        %get3A_667 = arith.index_cast %scan3A_601 : i32 to index
        %get3A_668 = arith.constant 16 : index
        %get3A_669 = tpu.vector_load %arg6[%get3A_666, %get3A_667, %get3A_668] {strides = array<i32>} : memref<4x100x128xf32, #tpu.memory_space<vmem>>, vector<1x1x16xf32>,
        %get3A_670 = vector.shape_cast %get3A_669 : vector<1x1x16xf32> to vector<16xf32>
        %add3A_671 = arith.addf %add3A_615, %get3A_670 : vector<16xf32>
        %get3A_672 = arith.constant 1 : i32
        %get3A_673 = arith.index_cast %get3A_672 : i32 to index
        %get3A_674 = arith.index_cast %scan3A_601 : i32 to index
        %get3A_675 = arith.constant 32 : index
        %get3A_676 = tpu.vector_load %arg6[%get3A_673, %get3A_674, %get3A_675] {strides = array<i32>} : memref<4x100x128xf32, #tpu.memory_space<vmem>>, vector<1x1x16xf32>,
        %get3A_677 = vector.shape_cast %get3A_676 : vector<1x1x16xf32> to vector<16xf32>
        %add3A_678 = arith.addf %add3A_622, %get3A_677 : vector<16xf32>
        %get3A_679 = arith.constant 1 : i32
        %get3A_680 = arith.index_cast %get3A_679 : i32 to index
        %get3A_681 = arith.index_cast %scan3A_601 : i32 to index
        %get3A_682 = arith.constant 48 : index
        %get3A_683 = tpu.vector_load %arg6[%get3A_680, %get3A_681, %get3A_682] {strides = array<i32>} : memref<4x100x128xf32, #tpu.memory_space<vmem>>, vector<1x1x16xf32>,
        %get3A_684 = vector.shape_cast %get3A_683 : vector<1x1x16xf32> to vector<16xf32>
        %add3A_685 = arith.addf %add3A_629, %get3A_684 : vector<16xf32>
        %get3A_686 = arith.constant 1 : i32
        %get3A_687 = arith.index_cast %get3A_686 : i32 to index
        %get3A_688 = arith.index_cast %scan3A_601 : i32 to index
        %get3A_689 = arith.constant 64 : index
        %get3A_690 = tpu.vector_load %arg6[%get3A_687, %get3A_688, %get3A_689] {strides = array<i32>} : memref<4x100x128xf32, #tpu.memory_space<vmem>>, vector<1x1x16xf32>,
        %get3A_691 = vector.shape_cast %get3A_690 : vector<1x1x16xf32> to vector<16xf32>
        %add3A_692 = arith.addf %add3A_636, %get3A_691 : vector<16xf32>
        %get3A_693 = arith.constant 1 : i32
        %get3A_694 = arith.index_cast %get3A_693 : i32 to index
        %get3A_695 = arith.index_cast %scan3A_601 : i32 to index
        %get3A_696 = arith.constant 80 : index
        %get3A_697 = tpu.vector_load %arg6[%get3A_694, %get3A_695, %get3A_696] {strides = array<i32>} : memref<4x100x128xf32, #tpu.memory_space<vmem>>, vector<1x1x16xf32>,
        %get3A_698 = vector.shape_cast %get3A_697 : vector<1x1x16xf32> to vector<16xf32>
        %add3A_699 = arith.addf %add3A_643, %get3A_698 : vector<16xf32>
        %get3A_700 = arith.constant 1 : i32
        %get3A_701 = arith.index_cast %get3A_700 : i32 to index
        %get3A_702 = arith.index_cast %scan3A_601 : i32 to index
        %get3A_703 = arith.constant 96 : index
        %get3A_704 = tpu.vector_load %arg6[%get3A_701, %get3A_702, %get3A_703] {strides = array<i32>} : memref<4x100x128xf32, #tpu.memory_space<vmem>>, vector<1x1x16xf32>,
        %get3A_705 = vector.shape_cast %get3A_704 : vector<1x1x16xf32> to vector<16xf32>
        %add3A_706 = arith.addf %add3A_650, %get3A_705 : vector<16xf32>
        %get3A_707 = arith.constant 1 : i32
        %get3A_708 = arith.index_cast %get3A_707 : i32 to index
        %get3A_709 = arith.index_cast %scan3A_601 : i32 to index
        %get3A_710 = arith.constant 112 : index
        %get3A_711 = tpu.vector_load %arg6[%get3A_708, %get3A_709, %get3A_710] {strides = array<i32>} : memref<4x100x128xf32, #tpu.memory_space<vmem>>, vector<1x1x16xf32>,
        %get3A_712 = vector.shape_cast %get3A_711 : vector<1x1x16xf32> to vector<16xf32>
        %add3A_713 = arith.addf %add3A_657, %get3A_712 : vector<16xf32>
        %scan3A_714 = arith.constant 4 : i32
        %scan3A_715 = arith.addi %scan3A_252, %scan3A_714 : i32
        %get3A_716 = arith.constant 0 : i32
        %get3A_717 = arith.index_cast %get3A_716 : i32 to index
        %get3A_718 = arith.index_cast %scan3A_715 : i32 to index
        %get3A_719 = arith.constant 0 : index
        %get3A_720 = tpu.vector_load %arg6[%get3A_717, %get3A_718, %get3A_719] {strides = array<i32>} : memref<4x100x128xf32, #tpu.memory_space<vmem>>, vector<1x1x16xf32>,
        %get3A_721 = vector.shape_cast %get3A_720 : vector<1x1x16xf32> to vector<16xf32>
        %add3A_722 = arith.addf %add3A_664, %get3A_721 : vector<16xf32>
        %get3A_723 = arith.constant 0 : i32
        %get3A_724 = arith.index_cast %get3A_723 : i32 to index
        %get3A_725 = arith.index_cast %scan3A_715 : i32 to index
        %get3A_726 = arith.constant 16 : index
        %get3A_727 = tpu.vector_load %arg6[%get3A_724, %get3A_725, %get3A_726] {strides = array<i32>} : memref<4x100x128xf32, #tpu.memory_space<vmem>>, vector<1x1x16xf32>,
        %get3A_728 = vector.shape_cast %get3A_727 : vector<1x1x16xf32> to vector<16xf32>
        %add3A_729 = arith.addf %add3A_671, %get3A_728 : vector<16xf32>
        %get3A_730 = arith.constant 0 : i32
        %get3A_731 = arith.index_cast %get3A_730 : i32 to index
        %get3A_732 = arith.index_cast %scan3A_715 : i32 to index
        %get3A_733 = arith.constant 32 : index
        %get3A_734 = tpu.vector_load %arg6[%get3A_731, %get3A_732, %get3A_733] {strides = array<i32>} : memref<4x100x128xf32, #tpu.memory_space<vmem>>, vector<1x1x16xf32>,
        %get3A_735 = vector.shape_cast %get3A_734 : vector<1x1x16xf32> to vector<16xf32>
        %add3A_736 = arith.addf %add3A_678, %get3A_735 : vector<16xf32>
        %get3A_737 = arith.constant 0 : i32
        %get3A_738 = arith.index_cast %get3A_737 : i32 to index
        %get3A_739 = arith.index_cast %scan3A_715 : i32 to index
        %get3A_740 = arith.constant 48 : index
        %get3A_741 = tpu.vector_load %arg6[%get3A_738, %get3A_739, %get3A_740] {strides = array<i32>} : memref<4x100x128xf32, #tpu.memory_space<vmem>>, vector<1x1x16xf32>,
        %get3A_742 = vector.shape_cast %get3A_741 : vector<1x1x16xf32> to vector<16xf32>
        %add3A_743 = arith.addf %add3A_685, %get3A_742 : vector<16xf32>
        %get3A_744 = arith.constant 0 : i32
        %get3A_745 = arith.index_cast %get3A_744 : i32 to index
        %get3A_746 = arith.index_cast %scan3A_715 : i32 to index
        %get3A_747 = arith.constant 64 : index
        %get3A_748 = tpu.vector_load %arg6[%get3A_745, %get3A_746, %get3A_747] {strides = array<i32>} : memref<4x100x128xf32, #tpu.memory_space<vmem>>, vector<1x1x16xf32>,
        %get3A_749 = vector.shape_cast %get3A_748 : vector<1x1x16xf32> to vector<16xf32>
        %add3A_750 = arith.addf %add3A_692, %get3A_749 : vector<16xf32>
        %get3A_751 = arith.constant 0 : i32
        %get3A_752 = arith.index_cast %get3A_751 : i32 to index
        %get3A_753 = arith.index_cast %scan3A_715 : i32 to index
        %get3A_754 = arith.constant 80 : index
        %get3A_755 = tpu.vector_load %arg6[%get3A_752, %get3A_753, %get3A_754] {strides = array<i32>} : memref<4x100x128xf32, #tpu.memory_space<vmem>>, vector<1x1x16xf32>,
        %get3A_756 = vector.shape_cast %get3A_755 : vector<1x1x16xf32> to vector<16xf32>
        %add3A_757 = arith.addf %add3A_699, %get3A_756 : vector<16xf32>
        %get3A_758 = arith.constant 0 : i32
        %get3A_759 = arith.index_cast %get3A_758 : i32 to index
        %get3A_760 = arith.index_cast %scan3A_715 : i32 to index
        %get3A_761 = arith.constant 96 : index
        %get3A_762 = tpu.vector_load %arg6[%get3A_759, %get3A_760, %get3A_761] {strides = array<i32>} : memref<4x100x128xf32, #tpu.memory_space<vmem>>, vector<1x1x16xf32>,
        %get3A_763 = vector.shape_cast %get3A_762 : vector<1x1x16xf32> to vector<16xf32>
        %add3A_764 = arith.addf %add3A_706, %get3A_763 : vector<16xf32>
        %get3A_765 = arith.constant 0 : i32
        %get3A_766 = arith.index_cast %get3A_765 : i32 to index
        %get3A_767 = arith.index_cast %scan3A_715 : i32 to index
        %get3A_768 = arith.constant 112 : index
        %get3A_769 = tpu.vector_load %arg6[%get3A_766, %get3A_767, %get3A_768] {strides = array<i32>} : memref<4x100x128xf32, #tpu.memory_space<vmem>>, vector<1x1x16xf32>,
        %get3A_770 = vector.shape_cast %get3A_769 : vector<1x1x16xf32> to vector<16xf32>
        %add3A_771 = arith.addf %add3A_713, %get3A_770 : vector<16xf32>
        %get3A_772 = arith.constant 1 : i32
        %get3A_773 = arith.index_cast %get3A_772 : i32 to index
        %get3A_774 = arith.index_cast %scan3A_715 : i32 to index
        %get3A_775 = arith.constant 0 : index
        %get3A_776 = tpu.vector_load %arg6[%get3A_773, %get3A_774, %get3A_775] {strides = array<i32>} : memref<4x100x128xf32, #tpu.memory_space<vmem>>, vector<1x1x16xf32>,
        %get3A_777 = vector.shape_cast %get3A_776 : vector<1x1x16xf32> to vector<16xf32>
        %add3A_778 = arith.addf %add3A_722, %get3A_777 : vector<16xf32>
        %get3A_779 = arith.constant 1 : i32
        %get3A_780 = arith.index_cast %get3A_779 : i32 to index
        %get3A_781 = arith.index_cast %scan3A_715 : i32 to index
        %get3A_782 = arith.constant 16 : index
        %get3A_783 = tpu.vector_load %arg6[%get3A_780, %get3A_781, %get3A_782] {strides = array<i32>} : memref<4x100x128xf32, #tpu.memory_space<vmem>>, vector<1x1x16xf32>,
        %get3A_784 = vector.shape_cast %get3A_783 : vector<1x1x16xf32> to vector<16xf32>
        %add3A_785 = arith.addf %add3A_729, %get3A_784 : vector<16xf32>
        %get3A_786 = arith.constant 1 : i32
        %get3A_787 = arith.index_cast %get3A_786 : i32 to index
        %get3A_788 = arith.index_cast %scan3A_715 : i32 to index
        %get3A_789 = arith.constant 32 : index
        %get3A_790 = tpu.vector_load %arg6[%get3A_787, %get3A_788, %get3A_789] {strides = array<i32>} : memref<4x100x128xf32, #tpu.memory_space<vmem>>, vector<1x1x16xf32>,
        %get3A_791 = vector.shape_cast %get3A_790 : vector<1x1x16xf32> to vector<16xf32>
        %add3A_792 = arith.addf %add3A_736, %get3A_791 : vector<16xf32>
        %get3A_793 = arith.constant 1 : i32
        %get3A_794 = arith.index_cast %get3A_793 : i32 to index
        %get3A_795 = arith.index_cast %scan3A_715 : i32 to index
        %get3A_796 = arith.constant 48 : index
        %get3A_797 = tpu.vector_load %arg6[%get3A_794, %get3A_795, %get3A_796] {strides = array<i32>} : memref<4x100x128xf32, #tpu.memory_space<vmem>>, vector<1x1x16xf32>,
        %get3A_798 = vector.shape_cast %get3A_797 : vector<1x1x16xf32> to vector<16xf32>
        %add3A_799 = arith.addf %add3A_743, %get3A_798 : vector<16xf32>
        %get3A_800 = arith.constant 1 : i32
        %get3A_801 = arith.index_cast %get3A_800 : i32 to index
        %get3A_802 = arith.index_cast %scan3A_715 : i32 to index
        %get3A_803 = arith.constant 64 : index
        %get3A_804 = tpu.vector_load %arg6[%get3A_801, %get3A_802, %get3A_803] {strides = array<i32>} : memref<4x100x128xf32, #tpu.memory_space<vmem>>, vector<1x1x16xf32>,
        %get3A_805 = vector.shape_cast %get3A_804 : vector<1x1x16xf32> to vector<16xf32>
        %add3A_806 = arith.addf %add3A_750, %get3A_805 : vector<16xf32>
        %get3A_807 = arith.constant 1 : i32
        %get3A_808 = arith.index_cast %get3A_807 : i32 to index
        %get3A_809 = arith.index_cast %scan3A_715 : i32 to index
        %get3A_810 = arith.constant 80 : index
        %get3A_811 = tpu.vector_load %arg6[%get3A_808, %get3A_809, %get3A_810] {strides = array<i32>} : memref<4x100x128xf32, #tpu.memory_space<vmem>>, vector<1x1x16xf32>,
        %get3A_812 = vector.shape_cast %get3A_811 : vector<1x1x16xf32> to vector<16xf32>
        %add3A_813 = arith.addf %add3A_757, %get3A_812 : vector<16xf32>
        %get3A_814 = arith.constant 1 : i32
        %get3A_815 = arith.index_cast %get3A_814 : i32 to index
        %get3A_816 = arith.index_cast %scan3A_715 : i32 to index
        %get3A_817 = arith.constant 96 : index
        %get3A_818 = tpu.vector_load %arg6[%get3A_815, %get3A_816, %get3A_817] {strides = array<i32>} : memref<4x100x128xf32, #tpu.memory_space<vmem>>, vector<1x1x16xf32>,
        %get3A_819 = vector.shape_cast %get3A_818 : vector<1x1x16xf32> to vector<16xf32>
        %add3A_820 = arith.addf %add3A_764, %get3A_819 : vector<16xf32>
        %get3A_821 = arith.constant 1 : i32
        %get3A_822 = arith.index_cast %get3A_821 : i32 to index
        %get3A_823 = arith.index_cast %scan3A_715 : i32 to index
        %get3A_824 = arith.constant 112 : index
        %get3A_825 = tpu.vector_load %arg6[%get3A_822, %get3A_823, %get3A_824] {strides = array<i32>} : memref<4x100x128xf32, #tpu.memory_space<vmem>>, vector<1x1x16xf32>,
        %get3A_826 = vector.shape_cast %get3A_825 : vector<1x1x16xf32> to vector<16xf32>
        %add3A_827 = arith.addf %add3A_771, %get3A_826 : vector<16xf32>
        scf.yield %add3A_778, %add3A_785, %add3A_792, %add3A_799, %add3A_806, %add3A_813, %add3A_820, %add3A_827 : vector<16xf32>, vector<16xf32>, vector<16xf32>, vector<16xf32>, vector<16xf32>, vector<16xf32>, vector<16xf32>, vector<16xf32>
      }
      %scan3A_109 = arith.constant 100 : i32
      %swap3A = arith.index_cast %add3A_63 : i32 to index
      %swap3A_110 = arith.constant 0 : index
      %swap3A_111 = tpu.vector_load %arg7[%swap3A, %swap3A_110] {strides = array<i32>} : memref<128x128xf32, #tpu.memory_space<vmem>>, vector<1x16xf32>,
      %swap3A_112 = vector.shape_cast %swap3A_111 : vector<1x16xf32> to vector<16xf32>
      %swap3A_113 = vector.shape_cast %scan3A_108#0 : vector<16xf32> to vector<1x16xf32>
      tpu.vector_store %arg7[%swap3A, %swap3A_110], %swap3A_113 {strides = array<i32>} : memref<128x128xf32, #tpu.memory_space<vmem>>, vector<1x16xf32>,
      %swap3A_114 = arith.index_cast %add3A_63 : i32 to index
      %swap3A_115 = arith.constant 16 : index
      %swap3A_116 = tpu.vector_load %arg7[%swap3A_114, %swap3A_115] {strides = array<i32>} : memref<128x128xf32, #tpu.memory_space<vmem>>, vector<1x16xf32>,
      %swap3A_117 = vector.shape_cast %swap3A_116 : vector<1x16xf32> to vector<16xf32>
      %swap3A_118 = vector.shape_cast %scan3A_108#1 : vector<16xf32> to vector<1x16xf32>
      tpu.vector_store %arg7[%swap3A_114, %swap3A_115], %swap3A_118 {strides = array<i32>} : memref<128x128xf32, #tpu.memory_space<vmem>>, vector<1x16xf32>,
      %swap3A_119 = arith.index_cast %add3A_63 : i32 to index
      %swap3A_120 = arith.constant 32 : index
      %swap3A_121 = tpu.vector_load %arg7[%swap3A_119, %swap3A_120] {strides = array<i32>} : memref<128x128xf32, #tpu.memory_space<vmem>>, vector<1x16xf32>,
      %swap3A_122 = vector.shape_cast %swap3A_121 : vector<1x16xf32> to vector<16xf32>
      %swap3A_123 = vector.shape_cast %scan3A_108#2 : vector<16xf32> to vector<1x16xf32>
      tpu.vector_store %arg7[%swap3A_119, %swap3A_120], %swap3A_123 {strides = array<i32>} : memref<128x128xf32, #tpu.memory_space<vmem>>, vector<1x16xf32>,
      %swap3A_124 = arith.index_cast %add3A_63 : i32 to index
      %swap3A_125 = arith.constant 48 : index
      %swap3A_126 = tpu.vector_load %arg7[%swap3A_124, %swap3A_125] {strides = array<i32>} : memref<128x128xf32, #tpu.memory_space<vmem>>, vector<1x16xf32>,
      %swap3A_127 = vector.shape_cast %swap3A_126 : vector<1x16xf32> to vector<16xf32>
      %swap3A_128 = vector.shape_cast %scan3A_108#3 : vector<16xf32> to vector<1x16xf32>
      tpu.vector_store %arg7[%swap3A_124, %swap3A_125], %swap3A_128 {strides = array<i32>} : memref<128x128xf32, #tpu.memory_space<vmem>>, vector<1x16xf32>,
      %swap3A_129 = arith.index_cast %add3A_63 : i32 to index
      %swap3A_130 = arith.constant 64 : index
      %swap3A_131 = tpu.vector_load %arg7[%swap3A_129, %swap3A_130] {strides = array<i32>} : memref<128x128xf32, #tpu.memory_space<vmem>>, vector<1x16xf32>,
      %swap3A_132 = vector.shape_cast %swap3A_131 : vector<1x16xf32> to vector<16xf32>
      %swap3A_133 = vector.shape_cast %scan3A_108#4 : vector<16xf32> to vector<1x16xf32>
      tpu.vector_store %arg7[%swap3A_129, %swap3A_130], %swap3A_133 {strides = array<i32>} : memref<128x128xf32, #tpu.memory_space<vmem>>, vector<1x16xf32>,
      %swap3A_134 = arith.index_cast %add3A_63 : i32 to index
      %swap3A_135 = arith.constant 80 : index
      %swap3A_136 = tpu.vector_load %arg7[%swap3A_134, %swap3A_135] {strides = array<i32>} : memref<128x128xf32, #tpu.memory_space<vmem>>, vector<1x16xf32>,
      %swap3A_137 = vector.shape_cast %swap3A_136 : vector<1x16xf32> to vector<16xf32>
      %swap3A_138 = vector.shape_cast %scan3A_108#5 : vector<16xf32> to vector<1x16xf32>
      tpu.vector_store %arg7[%swap3A_134, %swap3A_135], %swap3A_138 {strides = array<i32>} : memref<128x128xf32, #tpu.memory_space<vmem>>, vector<1x16xf32>,
      %swap3A_139 = arith.index_cast %add3A_63 : i32 to index
      %swap3A_140 = arith.constant 96 : index
      %swap3A_141 = tpu.vector_load %arg7[%swap3A_139, %swap3A_140] {strides = array<i32>} : memref<128x128xf32, #tpu.memory_space<vmem>>, vector<1x16xf32>,
      %swap3A_142 = vector.shape_cast %swap3A_141 : vector<1x16xf32> to vector<16xf32>
      %swap3A_143 = vector.shape_cast %scan3A_108#6 : vector<16xf32> to vector<1x16xf32>
      tpu.vector_store %arg7[%swap3A_139, %swap3A_140], %swap3A_143 {strides = array<i32>} : memref<128x128xf32, #tpu.memory_space<vmem>>, vector<1x16xf32>,
      %swap3A_144 = arith.index_cast %add3A_63 : i32 to index
      %swap3A_145 = arith.constant 112 : index
      %swap3A_146 = tpu.vector_load %arg7[%swap3A_144, %swap3A_145] {strides = array<i32>} : memref<128x128xf32, #tpu.memory_space<vmem>>, vector<1x16xf32>,
      %swap3A_147 = vector.shape_cast %swap3A_146 : vector<1x16xf32> to vector<16xf32>
      %swap3A_148 = vector.shape_cast %scan3A_108#7 : vector<16xf32> to vector<1x16xf32>
      tpu.vector_store %arg7[%swap3A_144, %swap3A_145], %swap3A_148 {strides = array<i32>} : memref<128x128xf32, #tpu.memory_space<vmem>>, vector<1x16xf32>,
      %add3A_149 = arith.constant 2 : i32
      %add3A_150 = arith.addi %add3A_63, %add3A_149 : i32
      %lt3A = arith.constant 128 : i32
      %lt3A_151 = arith.cmpi slt, %add3A_150, %lt3A : i32
      %convert_element_type3A = arith.extui %lt3A_151 : i1 to i32
      %cond3A = arith.constant 0 : i32
      %cond3A_152 = arith.cmpi ne, %convert_element_type3A, %cond3A : i32
      scf.if %cond3A_152 {
        %add3A_252 = arith.constant 2 : i32
        %add3A_253 = arith.addi %add3A_63, %add3A_252 : i32
        %dma_start3A_254 = arith.constant 0 : i32
        %dma_start3A_255 = arith.constant 0 : i32
        %dma_start3A_256 = arith.constant 0 : i32
        %dma_start3A_257 = arith.constant 0 : i32
        %dma_start3A_258 = tpu.memref_slice %arg6[%dma_start3A_255, %dma_start3A_256, %dma_start3A_257] : memref<4x100x128xf32, #tpu.memory_space<vmem>> -> memref<1x100x128xf32, #tpu.memory_space<vmem>>
        %dma_start3A_259 = tpu.memref_squeeze %dma_start3A_258 : memref<1x100x128xf32, #tpu.memory_space<vmem>> -> memref<100x128xf32, #tpu.memory_space<vmem>>
        %dma_start3A_260 = arith.constant 0 : i32
        %dma_start3A_261 = tpu.memref_slice %arg5[%add3A_253, %dma_start3A_254, %dma_start3A_260] : memref<128x2x100xi32, #tpu.memory_space<vmem>> -> memref<1x1x100xi32, #tpu.memory_space<vmem>>
        %dma_start3A_262 = tpu.memref_squeeze %dma_start3A_261 : memref<1x1x100xi32, #tpu.memory_space<vmem>> -> memref<100xi32, #tpu.memory_space<vmem>>
        %dma_start3A_263 = arith.constant 0 : i32
        %dma_start3A_264 = arith.constant 0 : i32
        %dma_start3A_265 = tpu.memref_slice %arg2[%dma_start3A_263, %dma_start3A_264] : memref<100000x128xf32, #tpu.memory_space<hbm>> -> memref<100000x128xf32, #tpu.memory_space<hbm>>
        tpu.enqueue_indirect_dma source(%dma_start3A_265 : memref<100000x128xf32, #tpu.memory_space<hbm>>) target(%dma_start3A_259 : memref<100x128xf32, #tpu.memory_space<vmem>>) offsets(%dma_start3A_262 : memref<100xi32, #tpu.memory_space<vmem>>) semaphore(%arg8 : memref<!tpu.dma_semaphore, #tpu.memory_space<semaphore_mem>>)
        %add3A_266 = arith.constant 2 : i32
        %add3A_267 = arith.addi %add3A_63, %add3A_266 : i32
        %dma_start3A_268 = arith.constant 1 : i32
        %dma_start3A_269 = arith.constant 1 : i32
        %dma_start3A_270 = arith.constant 0 : i32
        %dma_start3A_271 = arith.constant 0 : i32
        %dma_start3A_272 = tpu.memref_slice %arg6[%dma_start3A_269, %dma_start3A_270, %dma_start3A_271] : memref<4x100x128xf32, #tpu.memory_space<vmem>> -> memref<1x100x128xf32, #tpu.memory_space<vmem>>
        %dma_start3A_273 = tpu.memref_squeeze %dma_start3A_272 : memref<1x100x128xf32, #tpu.memory_space<vmem>> -> memref<100x128xf32, #tpu.memory_space<vmem>>
        %dma_start3A_274 = arith.constant 0 : i32
        %dma_start3A_275 = tpu.memref_slice %arg5[%add3A_267, %dma_start3A_268, %dma_start3A_274] : memref<128x2x100xi32, #tpu.memory_space<vmem>> -> memref<1x1x100xi32, #tpu.memory_space<vmem>>
        %dma_start3A_276 = tpu.memref_squeeze %dma_start3A_275 : memref<1x1x100xi32, #tpu.memory_space<vmem>> -> memref<100xi32, #tpu.memory_space<vmem>>
        %dma_start3A_277 = arith.constant 0 : i32
        %dma_start3A_278 = arith.constant 0 : i32
        %dma_start3A_279 = tpu.memref_slice %arg2[%dma_start3A_277, %dma_start3A_278] : memref<100000x128xf32, #tpu.memory_space<hbm>> -> memref<100000x128xf32, #tpu.memory_space<hbm>>
        tpu.enqueue_indirect_dma source(%dma_start3A_279 : memref<100000x128xf32, #tpu.memory_space<hbm>>) target(%dma_start3A_273 : memref<100x128xf32, #tpu.memory_space<vmem>>) offsets(%dma_start3A_276 : memref<100xi32, #tpu.memory_space<vmem>>) semaphore(%arg9 : memref<!tpu.dma_semaphore, #tpu.memory_space<semaphore_mem>>)
      } else {
      }
      %mul3A_153 = arith.constant 2 : i32
      %mul3A_154 = arith.muli %mul3A_153, %scan3A_59 : i32
      %add3A_155 = arith.constant 1 : i32
      %add3A_156 = arith.addi %mul3A_154, %add3A_155 : i32
      %dma_wait3A_157 = arith.constant 0 : i32
      %dma_wait3A_158 = arith.constant 0 : i32
      %dma_wait3A_159 = arith.constant 2 : i32
      %dma_wait3A_160 = arith.constant 0 : i32
      %dma_wait3A_161 = arith.constant 0 : i32
      %dma_wait3A_162 = tpu.memref_slice %arg6[%dma_wait3A_159, %dma_wait3A_160, %dma_wait3A_161] : memref<4x100x128xf32, #tpu.memory_space<vmem>> -> memref<1x100x128xf32, #tpu.memory_space<vmem>>
      %dma_wait3A_163 = tpu.memref_squeeze %dma_wait3A_162 : memref<1x100x128xf32, #tpu.memory_space<vmem>> -> memref<100x128xf32, #tpu.memory_space<vmem>>
      %dma_wait3A_164 = arith.constant 0 : i32
      %dma_wait3A_165 = tpu.memref_slice %arg5[%dma_wait3A_157, %dma_wait3A_158, %dma_wait3A_164] : memref<128x2x100xi32, #tpu.memory_space<vmem>> -> memref<1x1x100xi32, #tpu.memory_space<vmem>>
      %dma_wait3A_166 = tpu.memref_squeeze %dma_wait3A_165 : memref<1x1x100xi32, #tpu.memory_space<vmem>> -> memref<100xi32, #tpu.memory_space<vmem>>
      %dma_wait3A_167 = arith.constant 0 : i32
      %dma_wait3A_168 = arith.constant 0 : i32
      %dma_wait3A_169 = tpu.memref_slice %arg2[%dma_wait3A_167, %dma_wait3A_168] : memref<100000x128xf32, #tpu.memory_space<hbm>> -> memref<100000x128xf32, #tpu.memory_space<hbm>>
      tpu.wait_indirect_dma semaphore(%arg10 : memref<!tpu.dma_semaphore, #tpu.memory_space<semaphore_mem>>) src(%dma_wait3A_169 : memref<100000x128xf32, #tpu.memory_space<hbm>>) dst(%dma_wait3A_163 : memref<100x128xf32, #tpu.memory_space<vmem>>)
      %dma_wait3A_170 = arith.constant 0 : i32
      %dma_wait3A_171 = arith.constant 0 : i32
      %dma_wait3A_172 = arith.constant 3 : i32
      %dma_wait3A_173 = arith.constant 0 : i32
      %dma_wait3A_174 = arith.constant 0 : i32
      %dma_wait3A_175 = tpu.memref_slice %arg6[%dma_wait3A_172, %dma_wait3A_173, %dma_wait3A_174] : memref<4x100x128xf32, #tpu.memory_space<vmem>> -> memref<1x100x128xf32, #tpu.memory_space<vmem>>
      %dma_wait3A_176 = tpu.memref_squeeze %dma_wait3A_175 : memref<1x100x128xf32, #tpu.memory_space<vmem>> -> memref<100x128xf32, #tpu.memory_space<vmem>>
      %dma_wait3A_177 = arith.constant 0 : i32
      %dma_wait3A_178 = tpu.memref_slice %arg5[%dma_wait3A_170, %dma_wait3A_171, %dma_wait3A_177] : memref<128x2x100xi32, #tpu.memory_space<vmem>> -> memref<1x1x100xi32, #tpu.memory_space<vmem>>
      %dma_wait3A_179 = tpu.memref_squeeze %dma_wait3A_178 : memref<1x1x100xi32, #tpu.memory_space<vmem>> -> memref<100xi32, #tpu.memory_space<vmem>>
      %dma_wait3A_180 = arith.constant 0 : i32
      %dma_wait3A_181 = arith.constant 0 : i32
      %dma_wait3A_182 = tpu.memref_slice %arg2[%dma_wait3A_180, %dma_wait3A_181] : memref<100000x128xf32, #tpu.memory_space<hbm>> -> memref<100000x128xf32, #tpu.memory_space<hbm>>
      tpu.wait_indirect_dma semaphore(%arg11 : memref<!tpu.dma_semaphore, #tpu.memory_space<semaphore_mem>>) src(%dma_wait3A_182 : memref<100000x128xf32, #tpu.memory_space<hbm>>) dst(%dma_wait3A_176 : memref<100x128xf32, #tpu.memory_space<vmem>>)
      %broadcast_in_dim3A_183 = arith.constant 0.000000e+00 : f32
      %broadcast_in_dim3A_184 = vector.broadcast %broadcast_in_dim3A_183 : f32 to vector<16xf32>
      %broadcast_in_dim3A_185 = arith.constant 0.000000e+00 : f32
      %broadcast_in_dim3A_186 = vector.broadcast %broadcast_in_dim3A_185 : f32 to vector<16xf32>
      %broadcast_in_dim3A_187 = arith.constant 0.000000e+00 : f32
      %broadcast_in_dim3A_188 = vector.broadcast %broadcast_in_dim3A_187 : f32 to vector<16xf32>
      %broadcast_in_dim3A_189 = arith.constant 0.000000e+00 : f32
      %broadcast_in_dim3A_190 = vector.broadcast %broadcast_in_dim3A_189 : f32 to vector<16xf32>
      %broadcast_in_dim3A_191 = arith.constant 0.000000e+00 : f32
      %broadcast_in_dim3A_192 = vector.broadcast %broadcast_in_dim3A_191 : f32 to vector<16xf32>
      %broadcast_in_dim3A_193 = arith.constant 0.000000e+00 : f32
      %broadcast_in_dim3A_194 = vector.broadcast %broadcast_in_dim3A_193 : f32 to vector<16xf32>
      %broadcast_in_dim3A_195 = arith.constant 0.000000e+00 : f32
      %broadcast_in_dim3A_196 = vector.broadcast %broadcast_in_dim3A_195 : f32 to vector<16xf32>
      %broadcast_in_dim3A_197 = arith.constant 0.000000e+00 : f32
      %broadcast_in_dim3A_198 = vector.broadcast %broadcast_in_dim3A_197 : f32 to vector<16xf32>
      %scan3A_199 = arith.constant 0 : i32
      %scan3A_200 = arith.constant 100 : i32
      %scan3A_201 = arith.addi %scan3A_199, %scan3A_200 : i32
      %scan3A_202 = arith.constant 5 : i32
      %scan3A_203:8 = scf.for %scan3A_252 = %scan3A_199 to %scan3A_201 step %scan3A_202 iter_args(%scan3A_253 = %broadcast_in_dim3A_184, %scan3A_254 = %broadcast_in_dim3A_186, %scan3A_255 = %broadcast_in_dim3A_188, %scan3A_256 = %broadcast_in_dim3A_190, %scan3A_257 = %broadcast_in_dim3A_192, %scan3A_258 = %broadcast_in_dim3A_194, %scan3A_259 = %broadcast_in_dim3A_196, %scan3A_260 = %broadcast_in_dim3A_198) -> (vector<16xf32>, vector<16xf32>, vector<16xf32>, vector<16xf32>, vector<16xf32>, vector<16xf32>, vector<16xf32>, vector<16xf32>)  : i32 {
        %get3A = arith.constant 2 : i32
        %get3A_261 = arith.index_cast %get3A : i32 to index
        %get3A_262 = arith.index_cast %scan3A_252 : i32 to index
        %get3A_263 = arith.constant 0 : index
        %get3A_264 = tpu.vector_load %arg6[%get3A_261, %get3A_262, %get3A_263] {strides = array<i32>} : memref<4x100x128xf32, #tpu.memory_space<vmem>>, vector<1x1x16xf32>,
        %get3A_265 = vector.shape_cast %get3A_264 : vector<1x1x16xf32> to vector<16xf32>
        %add3A_266 = arith.addf %scan3A_253, %get3A_265 : vector<16xf32>
        %get3A_267 = arith.constant 2 : i32
        %get3A_268 = arith.index_cast %get3A_267 : i32 to index
        %get3A_269 = arith.index_cast %scan3A_252 : i32 to index
        %get3A_270 = arith.constant 16 : index
        %get3A_271 = tpu.vector_load %arg6[%get3A_268, %get3A_269, %get3A_270] {strides = array<i32>} : memref<4x100x128xf32, #tpu.memory_space<vmem>>, vector<1x1x16xf32>,
        %get3A_272 = vector.shape_cast %get3A_271 : vector<1x1x16xf32> to vector<16xf32>
        %add3A_273 = arith.addf %scan3A_254, %get3A_272 : vector<16xf32>
        %get3A_274 = arith.constant 2 : i32
        %get3A_275 = arith.index_cast %get3A_274 : i32 to index
        %get3A_276 = arith.index_cast %scan3A_252 : i32 to index
        %get3A_277 = arith.constant 32 : index
        %get3A_278 = tpu.vector_load %arg6[%get3A_275, %get3A_276, %get3A_277] {strides = array<i32>} : memref<4x100x128xf32, #tpu.memory_space<vmem>>, vector<1x1x16xf32>,
        %get3A_279 = vector.shape_cast %get3A_278 : vector<1x1x16xf32> to vector<16xf32>
        %add3A_280 = arith.addf %scan3A_255, %get3A_279 : vector<16xf32>
        %get3A_281 = arith.constant 2 : i32
        %get3A_282 = arith.index_cast %get3A_281 : i32 to index
        %get3A_283 = arith.index_cast %scan3A_252 : i32 to index
        %get3A_284 = arith.constant 48 : index
        %get3A_285 = tpu.vector_load %arg6[%get3A_282, %get3A_283, %get3A_284] {strides = array<i32>} : memref<4x100x128xf32, #tpu.memory_space<vmem>>, vector<1x1x16xf32>,
        %get3A_286 = vector.shape_cast %get3A_285 : vector<1x1x16xf32> to vector<16xf32>
        %add3A_287 = arith.addf %scan3A_256, %get3A_286 : vector<16xf32>
        %get3A_288 = arith.constant 2 : i32
        %get3A_289 = arith.index_cast %get3A_288 : i32 to index
        %get3A_290 = arith.index_cast %scan3A_252 : i32 to index
        %get3A_291 = arith.constant 64 : index
        %get3A_292 = tpu.vector_load %arg6[%get3A_289, %get3A_290, %get3A_291] {strides = array<i32>} : memref<4x100x128xf32, #tpu.memory_space<vmem>>, vector<1x1x16xf32>,
        %get3A_293 = vector.shape_cast %get3A_292 : vector<1x1x16xf32> to vector<16xf32>
        %add3A_294 = arith.addf %scan3A_257, %get3A_293 : vector<16xf32>
        %get3A_295 = arith.constant 2 : i32
        %get3A_296 = arith.index_cast %get3A_295 : i32 to index
        %get3A_297 = arith.index_cast %scan3A_252 : i32 to index
        %get3A_298 = arith.constant 80 : index
        %get3A_299 = tpu.vector_load %arg6[%get3A_296, %get3A_297, %get3A_298] {strides = array<i32>} : memref<4x100x128xf32, #tpu.memory_space<vmem>>, vector<1x1x16xf32>,
        %get3A_300 = vector.shape_cast %get3A_299 : vector<1x1x16xf32> to vector<16xf32>
        %add3A_301 = arith.addf %scan3A_258, %get3A_300 : vector<16xf32>
        %get3A_302 = arith.constant 2 : i32
        %get3A_303 = arith.index_cast %get3A_302 : i32 to index
        %get3A_304 = arith.index_cast %scan3A_252 : i32 to index
        %get3A_305 = arith.constant 96 : index
        %get3A_306 = tpu.vector_load %arg6[%get3A_303, %get3A_304, %get3A_305] {strides = array<i32>} : memref<4x100x128xf32, #tpu.memory_space<vmem>>, vector<1x1x16xf32>,
        %get3A_307 = vector.shape_cast %get3A_306 : vector<1x1x16xf32> to vector<16xf32>
        %add3A_308 = arith.addf %scan3A_259, %get3A_307 : vector<16xf32>
        %get3A_309 = arith.constant 2 : i32
        %get3A_310 = arith.index_cast %get3A_309 : i32 to index
        %get3A_311 = arith.index_cast %scan3A_252 : i32 to index
        %get3A_312 = arith.constant 112 : index
        %get3A_313 = tpu.vector_load %arg6[%get3A_310, %get3A_311, %get3A_312] {strides = array<i32>} : memref<4x100x128xf32, #tpu.memory_space<vmem>>, vector<1x1x16xf32>,
        %get3A_314 = vector.shape_cast %get3A_313 : vector<1x1x16xf32> to vector<16xf32>
        %add3A_315 = arith.addf %scan3A_260, %get3A_314 : vector<16xf32>
        %get3A_316 = arith.constant 3 : i32
        %get3A_317 = arith.index_cast %get3A_316 : i32 to index
        %get3A_318 = arith.index_cast %scan3A_252 : i32 to index
        %get3A_319 = arith.constant 0 : index
        %get3A_320 = tpu.vector_load %arg6[%get3A_317, %get3A_318, %get3A_319] {strides = array<i32>} : memref<4x100x128xf32, #tpu.memory_space<vmem>>, vector<1x1x16xf32>,
        %get3A_321 = vector.shape_cast %get3A_320 : vector<1x1x16xf32> to vector<16xf32>
        %add3A_322 = arith.addf %add3A_266, %get3A_321 : vector<16xf32>
        %get3A_323 = arith.constant 3 : i32
        %get3A_324 = arith.index_cast %get3A_323 : i32 to index
        %get3A_325 = arith.index_cast %scan3A_252 : i32 to index
        %get3A_326 = arith.constant 16 : index
        %get3A_327 = tpu.vector_load %arg6[%get3A_324, %get3A_325, %get3A_326] {strides = array<i32>} : memref<4x100x128xf32, #tpu.memory_space<vmem>>, vector<1x1x16xf32>,
        %get3A_328 = vector.shape_cast %get3A_327 : vector<1x1x16xf32> to vector<16xf32>
        %add3A_329 = arith.addf %add3A_273, %get3A_328 : vector<16xf32>
        %get3A_330 = arith.constant 3 : i32
        %get3A_331 = arith.index_cast %get3A_330 : i32 to index
        %get3A_332 = arith.index_cast %scan3A_252 : i32 to index
        %get3A_333 = arith.constant 32 : index
        %get3A_334 = tpu.vector_load %arg6[%get3A_331, %get3A_332, %get3A_333] {strides = array<i32>} : memref<4x100x128xf32, #tpu.memory_space<vmem>>, vector<1x1x16xf32>,
        %get3A_335 = vector.shape_cast %get3A_334 : vector<1x1x16xf32> to vector<16xf32>
        %add3A_336 = arith.addf %add3A_280, %get3A_335 : vector<16xf32>
        %get3A_337 = arith.constant 3 : i32
        %get3A_338 = arith.index_cast %get3A_337 : i32 to index
        %get3A_339 = arith.index_cast %scan3A_252 : i32 to index
        %get3A_340 = arith.constant 48 : index
        %get3A_341 = tpu.vector_load %arg6[%get3A_338, %get3A_339, %get3A_340] {strides = array<i32>} : memref<4x100x128xf32, #tpu.memory_space<vmem>>, vector<1x1x16xf32>,
        %get3A_342 = vector.shape_cast %get3A_341 : vector<1x1x16xf32> to vector<16xf32>
        %add3A_343 = arith.addf %add3A_287, %get3A_342 : vector<16xf32>
        %get3A_344 = arith.constant 3 : i32
        %get3A_345 = arith.index_cast %get3A_344 : i32 to index
        %get3A_346 = arith.index_cast %scan3A_252 : i32 to index
        %get3A_347 = arith.constant 64 : index
        %get3A_348 = tpu.vector_load %arg6[%get3A_345, %get3A_346, %get3A_347] {strides = array<i32>} : memref<4x100x128xf32, #tpu.memory_space<vmem>>, vector<1x1x16xf32>,
        %get3A_349 = vector.shape_cast %get3A_348 : vector<1x1x16xf32> to vector<16xf32>
        %add3A_350 = arith.addf %add3A_294, %get3A_349 : vector<16xf32>
        %get3A_351 = arith.constant 3 : i32
        %get3A_352 = arith.index_cast %get3A_351 : i32 to index
        %get3A_353 = arith.index_cast %scan3A_252 : i32 to index
        %get3A_354 = arith.constant 80 : index
        %get3A_355 = tpu.vector_load %arg6[%get3A_352, %get3A_353, %get3A_354] {strides = array<i32>} : memref<4x100x128xf32, #tpu.memory_space<vmem>>, vector<1x1x16xf32>,
        %get3A_356 = vector.shape_cast %get3A_355 : vector<1x1x16xf32> to vector<16xf32>
        %add3A_357 = arith.addf %add3A_301, %get3A_356 : vector<16xf32>
        %get3A_358 = arith.constant 3 : i32
        %get3A_359 = arith.index_cast %get3A_358 : i32 to index
        %get3A_360 = arith.index_cast %scan3A_252 : i32 to index
        %get3A_361 = arith.constant 96 : index
        %get3A_362 = tpu.vector_load %arg6[%get3A_359, %get3A_360, %get3A_361] {strides = array<i32>} : memref<4x100x128xf32, #tpu.memory_space<vmem>>, vector<1x1x16xf32>,
        %get3A_363 = vector.shape_cast %get3A_362 : vector<1x1x16xf32> to vector<16xf32>
        %add3A_364 = arith.addf %add3A_308, %get3A_363 : vector<16xf32>
        %get3A_365 = arith.constant 3 : i32
        %get3A_366 = arith.index_cast %get3A_365 : i32 to index
        %get3A_367 = arith.index_cast %scan3A_252 : i32 to index
        %get3A_368 = arith.constant 112 : index
        %get3A_369 = tpu.vector_load %arg6[%get3A_366, %get3A_367, %get3A_368] {strides = array<i32>} : memref<4x100x128xf32, #tpu.memory_space<vmem>>, vector<1x1x16xf32>,
        %get3A_370 = vector.shape_cast %get3A_369 : vector<1x1x16xf32> to vector<16xf32>
        %add3A_371 = arith.addf %add3A_315, %get3A_370 : vector<16xf32>
        %scan3A_372 = arith.constant 1 : i32
        %scan3A_373 = arith.addi %scan3A_252, %scan3A_372 : i32
        %get3A_374 = arith.constant 2 : i32
        %get3A_375 = arith.index_cast %get3A_374 : i32 to index
        %get3A_376 = arith.index_cast %scan3A_373 : i32 to index
        %get3A_377 = arith.constant 0 : index
        %get3A_378 = tpu.vector_load %arg6[%get3A_375, %get3A_376, %get3A_377] {strides = array<i32>} : memref<4x100x128xf32, #tpu.memory_space<vmem>>, vector<1x1x16xf32>,
        %get3A_379 = vector.shape_cast %get3A_378 : vector<1x1x16xf32> to vector<16xf32>
        %add3A_380 = arith.addf %add3A_322, %get3A_379 : vector<16xf32>
        %get3A_381 = arith.constant 2 : i32
        %get3A_382 = arith.index_cast %get3A_381 : i32 to index
        %get3A_383 = arith.index_cast %scan3A_373 : i32 to index
        %get3A_384 = arith.constant 16 : index
        %get3A_385 = tpu.vector_load %arg6[%get3A_382, %get3A_383, %get3A_384] {strides = array<i32>} : memref<4x100x128xf32, #tpu.memory_space<vmem>>, vector<1x1x16xf32>,
        %get3A_386 = vector.shape_cast %get3A_385 : vector<1x1x16xf32> to vector<16xf32>
        %add3A_387 = arith.addf %add3A_329, %get3A_386 : vector<16xf32>
        %get3A_388 = arith.constant 2 : i32
        %get3A_389 = arith.index_cast %get3A_388 : i32 to index
        %get3A_390 = arith.index_cast %scan3A_373 : i32 to index
        %get3A_391 = arith.constant 32 : index
        %get3A_392 = tpu.vector_load %arg6[%get3A_389, %get3A_390, %get3A_391] {strides = array<i32>} : memref<4x100x128xf32, #tpu.memory_space<vmem>>, vector<1x1x16xf32>,
        %get3A_393 = vector.shape_cast %get3A_392 : vector<1x1x16xf32> to vector<16xf32>
        %add3A_394 = arith.addf %add3A_336, %get3A_393 : vector<16xf32>
        %get3A_395 = arith.constant 2 : i32
        %get3A_396 = arith.index_cast %get3A_395 : i32 to index
        %get3A_397 = arith.index_cast %scan3A_373 : i32 to index
        %get3A_398 = arith.constant 48 : index
        %get3A_399 = tpu.vector_load %arg6[%get3A_396, %get3A_397, %get3A_398] {strides = array<i32>} : memref<4x100x128xf32, #tpu.memory_space<vmem>>, vector<1x1x16xf32>,
        %get3A_400 = vector.shape_cast %get3A_399 : vector<1x1x16xf32> to vector<16xf32>
        %add3A_401 = arith.addf %add3A_343, %get3A_400 : vector<16xf32>
        %get3A_402 = arith.constant 2 : i32
        %get3A_403 = arith.index_cast %get3A_402 : i32 to index
        %get3A_404 = arith.index_cast %scan3A_373 : i32 to index
        %get3A_405 = arith.constant 64 : index
        %get3A_406 = tpu.vector_load %arg6[%get3A_403, %get3A_404, %get3A_405] {strides = array<i32>} : memref<4x100x128xf32, #tpu.memory_space<vmem>>, vector<1x1x16xf32>,
        %get3A_407 = vector.shape_cast %get3A_406 : vector<1x1x16xf32> to vector<16xf32>
        %add3A_408 = arith.addf %add3A_350, %get3A_407 : vector<16xf32>
        %get3A_409 = arith.constant 2 : i32
        %get3A_410 = arith.index_cast %get3A_409 : i32 to index
        %get3A_411 = arith.index_cast %scan3A_373 : i32 to index
        %get3A_412 = arith.constant 80 : index
        %get3A_413 = tpu.vector_load %arg6[%get3A_410, %get3A_411, %get3A_412] {strides = array<i32>} : memref<4x100x128xf32, #tpu.memory_space<vmem>>, vector<1x1x16xf32>,
        %get3A_414 = vector.shape_cast %get3A_413 : vector<1x1x16xf32> to vector<16xf32>
        %add3A_415 = arith.addf %add3A_357, %get3A_414 : vector<16xf32>
        %get3A_416 = arith.constant 2 : i32
        %get3A_417 = arith.index_cast %get3A_416 : i32 to index
        %get3A_418 = arith.index_cast %scan3A_373 : i32 to index
        %get3A_419 = arith.constant 96 : index
        %get3A_420 = tpu.vector_load %arg6[%get3A_417, %get3A_418, %get3A_419] {strides = array<i32>} : memref<4x100x128xf32, #tpu.memory_space<vmem>>, vector<1x1x16xf32>,
        %get3A_421 = vector.shape_cast %get3A_420 : vector<1x1x16xf32> to vector<16xf32>
        %add3A_422 = arith.addf %add3A_364, %get3A_421 : vector<16xf32>
        %get3A_423 = arith.constant 2 : i32
        %get3A_424 = arith.index_cast %get3A_423 : i32 to index
        %get3A_425 = arith.index_cast %scan3A_373 : i32 to index
        %get3A_426 = arith.constant 112 : index
        %get3A_427 = tpu.vector_load %arg6[%get3A_424, %get3A_425, %get3A_426] {strides = array<i32>} : memref<4x100x128xf32, #tpu.memory_space<vmem>>, vector<1x1x16xf32>,
        %get3A_428 = vector.shape_cast %get3A_427 : vector<1x1x16xf32> to vector<16xf32>
        %add3A_429 = arith.addf %add3A_371, %get3A_428 : vector<16xf32>
        %get3A_430 = arith.constant 3 : i32
        %get3A_431 = arith.index_cast %get3A_430 : i32 to index
        %get3A_432 = arith.index_cast %scan3A_373 : i32 to index
        %get3A_433 = arith.constant 0 : index
        %get3A_434 = tpu.vector_load %arg6[%get3A_431, %get3A_432, %get3A_433] {strides = array<i32>} : memref<4x100x128xf32, #tpu.memory_space<vmem>>, vector<1x1x16xf32>,
        %get3A_435 = vector.shape_cast %get3A_434 : vector<1x1x16xf32> to vector<16xf32>
        %add3A_436 = arith.addf %add3A_380, %get3A_435 : vector<16xf32>
        %get3A_437 = arith.constant 3 : i32
        %get3A_438 = arith.index_cast %get3A_437 : i32 to index
        %get3A_439 = arith.index_cast %scan3A_373 : i32 to index
        %get3A_440 = arith.constant 16 : index
        %get3A_441 = tpu.vector_load %arg6[%get3A_438, %get3A_439, %get3A_440] {strides = array<i32>} : memref<4x100x128xf32, #tpu.memory_space<vmem>>, vector<1x1x16xf32>,
        %get3A_442 = vector.shape_cast %get3A_441 : vector<1x1x16xf32> to vector<16xf32>
        %add3A_443 = arith.addf %add3A_387, %get3A_442 : vector<16xf32>
        %get3A_444 = arith.constant 3 : i32
        %get3A_445 = arith.index_cast %get3A_444 : i32 to index
        %get3A_446 = arith.index_cast %scan3A_373 : i32 to index
        %get3A_447 = arith.constant 32 : index
        %get3A_448 = tpu.vector_load %arg6[%get3A_445, %get3A_446, %get3A_447] {strides = array<i32>} : memref<4x100x128xf32, #tpu.memory_space<vmem>>, vector<1x1x16xf32>,
        %get3A_449 = vector.shape_cast %get3A_448 : vector<1x1x16xf32> to vector<16xf32>
        %add3A_450 = arith.addf %add3A_394, %get3A_449 : vector<16xf32>
        %get3A_451 = arith.constant 3 : i32
        %get3A_452 = arith.index_cast %get3A_451 : i32 to index
        %get3A_453 = arith.index_cast %scan3A_373 : i32 to index
        %get3A_454 = arith.constant 48 : index
        %get3A_455 = tpu.vector_load %arg6[%get3A_452, %get3A_453, %get3A_454] {strides = array<i32>} : memref<4x100x128xf32, #tpu.memory_space<vmem>>, vector<1x1x16xf32>,
        %get3A_456 = vector.shape_cast %get3A_455 : vector<1x1x16xf32> to vector<16xf32>
        %add3A_457 = arith.addf %add3A_401, %get3A_456 : vector<16xf32>
        %get3A_458 = arith.constant 3 : i32
        %get3A_459 = arith.index_cast %get3A_458 : i32 to index
        %get3A_460 = arith.index_cast %scan3A_373 : i32 to index
        %get3A_461 = arith.constant 64 : index
        %get3A_462 = tpu.vector_load %arg6[%get3A_459, %get3A_460, %get3A_461] {strides = array<i32>} : memref<4x100x128xf32, #tpu.memory_space<vmem>>, vector<1x1x16xf32>,
        %get3A_463 = vector.shape_cast %get3A_462 : vector<1x1x16xf32> to vector<16xf32>
        %add3A_464 = arith.addf %add3A_408, %get3A_463 : vector<16xf32>
        %get3A_465 = arith.constant 3 : i32
        %get3A_466 = arith.index_cast %get3A_465 : i32 to index
        %get3A_467 = arith.index_cast %scan3A_373 : i32 to index
        %get3A_468 = arith.constant 80 : index
        %get3A_469 = tpu.vector_load %arg6[%get3A_466, %get3A_467, %get3A_468] {strides = array<i32>} : memref<4x100x128xf32, #tpu.memory_space<vmem>>, vector<1x1x16xf32>,
        %get3A_470 = vector.shape_cast %get3A_469 : vector<1x1x16xf32> to vector<16xf32>
        %add3A_471 = arith.addf %add3A_415, %get3A_470 : vector<16xf32>
        %get3A_472 = arith.constant 3 : i32
        %get3A_473 = arith.index_cast %get3A_472 : i32 to index
        %get3A_474 = arith.index_cast %scan3A_373 : i32 to index
        %get3A_475 = arith.constant 96 : index
        %get3A_476 = tpu.vector_load %arg6[%get3A_473, %get3A_474, %get3A_475] {strides = array<i32>} : memref<4x100x128xf32, #tpu.memory_space<vmem>>, vector<1x1x16xf32>,
        %get3A_477 = vector.shape_cast %get3A_476 : vector<1x1x16xf32> to vector<16xf32>
        %add3A_478 = arith.addf %add3A_422, %get3A_477 : vector<16xf32>
        %get3A_479 = arith.constant 3 : i32
        %get3A_480 = arith.index_cast %get3A_479 : i32 to index
        %get3A_481 = arith.index_cast %scan3A_373 : i32 to index
        %get3A_482 = arith.constant 112 : index
        %get3A_483 = tpu.vector_load %arg6[%get3A_480, %get3A_481, %get3A_482] {strides = array<i32>} : memref<4x100x128xf32, #tpu.memory_space<vmem>>, vector<1x1x16xf32>,
        %get3A_484 = vector.shape_cast %get3A_483 : vector<1x1x16xf32> to vector<16xf32>
        %add3A_485 = arith.addf %add3A_429, %get3A_484 : vector<16xf32>
        %scan3A_486 = arith.constant 2 : i32
        %scan3A_487 = arith.addi %scan3A_252, %scan3A_486 : i32
        %get3A_488 = arith.constant 2 : i32
        %get3A_489 = arith.index_cast %get3A_488 : i32 to index
        %get3A_490 = arith.index_cast %scan3A_487 : i32 to index
        %get3A_491 = arith.constant 0 : index
        %get3A_492 = tpu.vector_load %arg6[%get3A_489, %get3A_490, %get3A_491] {strides = array<i32>} : memref<4x100x128xf32, #tpu.memory_space<vmem>>, vector<1x1x16xf32>,
        %get3A_493 = vector.shape_cast %get3A_492 : vector<1x1x16xf32> to vector<16xf32>
        %add3A_494 = arith.addf %add3A_436, %get3A_493 : vector<16xf32>
        %get3A_495 = arith.constant 2 : i32
        %get3A_496 = arith.index_cast %get3A_495 : i32 to index
        %get3A_497 = arith.index_cast %scan3A_487 : i32 to index
        %get3A_498 = arith.constant 16 : index
        %get3A_499 = tpu.vector_load %arg6[%get3A_496, %get3A_497, %get3A_498] {strides = array<i32>} : memref<4x100x128xf32, #tpu.memory_space<vmem>>, vector<1x1x16xf32>,
        %get3A_500 = vector.shape_cast %get3A_499 : vector<1x1x16xf32> to vector<16xf32>
        %add3A_501 = arith.addf %add3A_443, %get3A_500 : vector<16xf32>
        %get3A_502 = arith.constant 2 : i32
        %get3A_503 = arith.index_cast %get3A_502 : i32 to index
        %get3A_504 = arith.index_cast %scan3A_487 : i32 to index
        %get3A_505 = arith.constant 32 : index
        %get3A_506 = tpu.vector_load %arg6[%get3A_503, %get3A_504, %get3A_505] {strides = array<i32>} : memref<4x100x128xf32, #tpu.memory_space<vmem>>, vector<1x1x16xf32>,
        %get3A_507 = vector.shape_cast %get3A_506 : vector<1x1x16xf32> to vector<16xf32>
        %add3A_508 = arith.addf %add3A_450, %get3A_507 : vector<16xf32>
        %get3A_509 = arith.constant 2 : i32
        %get3A_510 = arith.index_cast %get3A_509 : i32 to index
        %get3A_511 = arith.index_cast %scan3A_487 : i32 to index
        %get3A_512 = arith.constant 48 : index
        %get3A_513 = tpu.vector_load %arg6[%get3A_510, %get3A_511, %get3A_512] {strides = array<i32>} : memref<4x100x128xf32, #tpu.memory_space<vmem>>, vector<1x1x16xf32>,
        %get3A_514 = vector.shape_cast %get3A_513 : vector<1x1x16xf32> to vector<16xf32>
        %add3A_515 = arith.addf %add3A_457, %get3A_514 : vector<16xf32>
        %get3A_516 = arith.constant 2 : i32
        %get3A_517 = arith.index_cast %get3A_516 : i32 to index
        %get3A_518 = arith.index_cast %scan3A_487 : i32 to index
        %get3A_519 = arith.constant 64 : index
        %get3A_520 = tpu.vector_load %arg6[%get3A_517, %get3A_518, %get3A_519] {strides = array<i32>} : memref<4x100x128xf32, #tpu.memory_space<vmem>>, vector<1x1x16xf32>,
        %get3A_521 = vector.shape_cast %get3A_520 : vector<1x1x16xf32> to vector<16xf32>
        %add3A_522 = arith.addf %add3A_464, %get3A_521 : vector<16xf32>
        %get3A_523 = arith.constant 2 : i32
        %get3A_524 = arith.index_cast %get3A_523 : i32 to index
        %get3A_525 = arith.index_cast %scan3A_487 : i32 to index
        %get3A_526 = arith.constant 80 : index
        %get3A_527 = tpu.vector_load %arg6[%get3A_524, %get3A_525, %get3A_526] {strides = array<i32>} : memref<4x100x128xf32, #tpu.memory_space<vmem>>, vector<1x1x16xf32>,
        %get3A_528 = vector.shape_cast %get3A_527 : vector<1x1x16xf32> to vector<16xf32>
        %add3A_529 = arith.addf %add3A_471, %get3A_528 : vector<16xf32>
        %get3A_530 = arith.constant 2 : i32
        %get3A_531 = arith.index_cast %get3A_530 : i32 to index
        %get3A_532 = arith.index_cast %scan3A_487 : i32 to index
        %get3A_533 = arith.constant 96 : index
        %get3A_534 = tpu.vector_load %arg6[%get3A_531, %get3A_532, %get3A_533] {strides = array<i32>} : memref<4x100x128xf32, #tpu.memory_space<vmem>>, vector<1x1x16xf32>,
        %get3A_535 = vector.shape_cast %get3A_534 : vector<1x1x16xf32> to vector<16xf32>
        %add3A_536 = arith.addf %add3A_478, %get3A_535 : vector<16xf32>
        %get3A_537 = arith.constant 2 : i32
        %get3A_538 = arith.index_cast %get3A_537 : i32 to index
        %get3A_539 = arith.index_cast %scan3A_487 : i32 to index
        %get3A_540 = arith.constant 112 : index
        %get3A_541 = tpu.vector_load %arg6[%get3A_538, %get3A_539, %get3A_540] {strides = array<i32>} : memref<4x100x128xf32, #tpu.memory_space<vmem>>, vector<1x1x16xf32>,
        %get3A_542 = vector.shape_cast %get3A_541 : vector<1x1x16xf32> to vector<16xf32>
        %add3A_543 = arith.addf %add3A_485, %get3A_542 : vector<16xf32>
        %get3A_544 = arith.constant 3 : i32
        %get3A_545 = arith.index_cast %get3A_544 : i32 to index
        %get3A_546 = arith.index_cast %scan3A_487 : i32 to index
        %get3A_547 = arith.constant 0 : index
        %get3A_548 = tpu.vector_load %arg6[%get3A_545, %get3A_546, %get3A_547] {strides = array<i32>} : memref<4x100x128xf32, #tpu.memory_space<vmem>>, vector<1x1x16xf32>,
        %get3A_549 = vector.shape_cast %get3A_548 : vector<1x1x16xf32> to vector<16xf32>
        %add3A_550 = arith.addf %add3A_494, %get3A_549 : vector<16xf32>
        %get3A_551 = arith.constant 3 : i32
        %get3A_552 = arith.index_cast %get3A_551 : i32 to index
        %get3A_553 = arith.index_cast %scan3A_487 : i32 to index
        %get3A_554 = arith.constant 16 : index
        %get3A_555 = tpu.vector_load %arg6[%get3A_552, %get3A_553, %get3A_554] {strides = array<i32>} : memref<4x100x128xf32, #tpu.memory_space<vmem>>, vector<1x1x16xf32>,
        %get3A_556 = vector.shape_cast %get3A_555 : vector<1x1x16xf32> to vector<16xf32>
        %add3A_557 = arith.addf %add3A_501, %get3A_556 : vector<16xf32>
        %get3A_558 = arith.constant 3 : i32
        %get3A_559 = arith.index_cast %get3A_558 : i32 to index
        %get3A_560 = arith.index_cast %scan3A_487 : i32 to index
        %get3A_561 = arith.constant 32 : index
        %get3A_562 = tpu.vector_load %arg6[%get3A_559, %get3A_560, %get3A_561] {strides = array<i32>} : memref<4x100x128xf32, #tpu.memory_space<vmem>>, vector<1x1x16xf32>,
        %get3A_563 = vector.shape_cast %get3A_562 : vector<1x1x16xf32> to vector<16xf32>
        %add3A_564 = arith.addf %add3A_508, %get3A_563 : vector<16xf32>
        %get3A_565 = arith.constant 3 : i32
        %get3A_566 = arith.index_cast %get3A_565 : i32 to index
        %get3A_567 = arith.index_cast %scan3A_487 : i32 to index
        %get3A_568 = arith.constant 48 : index
        %get3A_569 = tpu.vector_load %arg6[%get3A_566, %get3A_567, %get3A_568] {strides = array<i32>} : memref<4x100x128xf32, #tpu.memory_space<vmem>>, vector<1x1x16xf32>,
        %get3A_570 = vector.shape_cast %get3A_569 : vector<1x1x16xf32> to vector<16xf32>
        %add3A_571 = arith.addf %add3A_515, %get3A_570 : vector<16xf32>
        %get3A_572 = arith.constant 3 : i32
        %get3A_573 = arith.index_cast %get3A_572 : i32 to index
        %get3A_574 = arith.index_cast %scan3A_487 : i32 to index
        %get3A_575 = arith.constant 64 : index
        %get3A_576 = tpu.vector_load %arg6[%get3A_573, %get3A_574, %get3A_575] {strides = array<i32>} : memref<4x100x128xf32, #tpu.memory_space<vmem>>, vector<1x1x16xf32>,
        %get3A_577 = vector.shape_cast %get3A_576 : vector<1x1x16xf32> to vector<16xf32>
        %add3A_578 = arith.addf %add3A_522, %get3A_577 : vector<16xf32>
        %get3A_579 = arith.constant 3 : i32
        %get3A_580 = arith.index_cast %get3A_579 : i32 to index
        %get3A_581 = arith.index_cast %scan3A_487 : i32 to index
        %get3A_582 = arith.constant 80 : index
        %get3A_583 = tpu.vector_load %arg6[%get3A_580, %get3A_581, %get3A_582] {strides = array<i32>} : memref<4x100x128xf32, #tpu.memory_space<vmem>>, vector<1x1x16xf32>,
        %get3A_584 = vector.shape_cast %get3A_583 : vector<1x1x16xf32> to vector<16xf32>
        %add3A_585 = arith.addf %add3A_529, %get3A_584 : vector<16xf32>
        %get3A_586 = arith.constant 3 : i32
        %get3A_587 = arith.index_cast %get3A_586 : i32 to index
        %get3A_588 = arith.index_cast %scan3A_487 : i32 to index
        %get3A_589 = arith.constant 96 : index
        %get3A_590 = tpu.vector_load %arg6[%get3A_587, %get3A_588, %get3A_589] {strides = array<i32>} : memref<4x100x128xf32, #tpu.memory_space<vmem>>, vector<1x1x16xf32>,
        %get3A_591 = vector.shape_cast %get3A_590 : vector<1x1x16xf32> to vector<16xf32>
        %add3A_592 = arith.addf %add3A_536, %get3A_591 : vector<16xf32>
        %get3A_593 = arith.constant 3 : i32
        %get3A_594 = arith.index_cast %get3A_593 : i32 to index
        %get3A_595 = arith.index_cast %scan3A_487 : i32 to index
        %get3A_596 = arith.constant 112 : index
        %get3A_597 = tpu.vector_load %arg6[%get3A_594, %get3A_595, %get3A_596] {strides = array<i32>} : memref<4x100x128xf32, #tpu.memory_space<vmem>>, vector<1x1x16xf32>,
        %get3A_598 = vector.shape_cast %get3A_597 : vector<1x1x16xf32> to vector<16xf32>
        %add3A_599 = arith.addf %add3A_543, %get3A_598 : vector<16xf32>
        %scan3A_600 = arith.constant 3 : i32
        %scan3A_601 = arith.addi %scan3A_252, %scan3A_600 : i32
        %get3A_602 = arith.constant 2 : i32
        %get3A_603 = arith.index_cast %get3A_602 : i32 to index
        %get3A_604 = arith.index_cast %scan3A_601 : i32 to index
        %get3A_605 = arith.constant 0 : index
        %get3A_606 = tpu.vector_load %arg6[%get3A_603, %get3A_604, %get3A_605] {strides = array<i32>} : memref<4x100x128xf32, #tpu.memory_space<vmem>>, vector<1x1x16xf32>,
        %get3A_607 = vector.shape_cast %get3A_606 : vector<1x1x16xf32> to vector<16xf32>
        %add3A_608 = arith.addf %add3A_550, %get3A_607 : vector<16xf32>
        %get3A_609 = arith.constant 2 : i32
        %get3A_610 = arith.index_cast %get3A_609 : i32 to index
        %get3A_611 = arith.index_cast %scan3A_601 : i32 to index
        %get3A_612 = arith.constant 16 : index
        %get3A_613 = tpu.vector_load %arg6[%get3A_610, %get3A_611, %get3A_612] {strides = array<i32>} : memref<4x100x128xf32, #tpu.memory_space<vmem>>, vector<1x1x16xf32>,
        %get3A_614 = vector.shape_cast %get3A_613 : vector<1x1x16xf32> to vector<16xf32>
        %add3A_615 = arith.addf %add3A_557, %get3A_614 : vector<16xf32>
        %get3A_616 = arith.constant 2 : i32
        %get3A_617 = arith.index_cast %get3A_616 : i32 to index
        %get3A_618 = arith.index_cast %scan3A_601 : i32 to index
        %get3A_619 = arith.constant 32 : index
        %get3A_620 = tpu.vector_load %arg6[%get3A_617, %get3A_618, %get3A_619] {strides = array<i32>} : memref<4x100x128xf32, #tpu.memory_space<vmem>>, vector<1x1x16xf32>,
        %get3A_621 = vector.shape_cast %get3A_620 : vector<1x1x16xf32> to vector<16xf32>
        %add3A_622 = arith.addf %add3A_564, %get3A_621 : vector<16xf32>
        %get3A_623 = arith.constant 2 : i32
        %get3A_624 = arith.index_cast %get3A_623 : i32 to index
        %get3A_625 = arith.index_cast %scan3A_601 : i32 to index
        %get3A_626 = arith.constant 48 : index
        %get3A_627 = tpu.vector_load %arg6[%get3A_624, %get3A_625, %get3A_626] {strides = array<i32>} : memref<4x100x128xf32, #tpu.memory_space<vmem>>, vector<1x1x16xf32>,
        %get3A_628 = vector.shape_cast %get3A_627 : vector<1x1x16xf32> to vector<16xf32>
        %add3A_629 = arith.addf %add3A_571, %get3A_628 : vector<16xf32>
        %get3A_630 = arith.constant 2 : i32
        %get3A_631 = arith.index_cast %get3A_630 : i32 to index
        %get3A_632 = arith.index_cast %scan3A_601 : i32 to index
        %get3A_633 = arith.constant 64 : index
        %get3A_634 = tpu.vector_load %arg6[%get3A_631, %get3A_632, %get3A_633] {strides = array<i32>} : memref<4x100x128xf32, #tpu.memory_space<vmem>>, vector<1x1x16xf32>,
        %get3A_635 = vector.shape_cast %get3A_634 : vector<1x1x16xf32> to vector<16xf32>
        %add3A_636 = arith.addf %add3A_578, %get3A_635 : vector<16xf32>
        %get3A_637 = arith.constant 2 : i32
        %get3A_638 = arith.index_cast %get3A_637 : i32 to index
        %get3A_639 = arith.index_cast %scan3A_601 : i32 to index
        %get3A_640 = arith.constant 80 : index
        %get3A_641 = tpu.vector_load %arg6[%get3A_638, %get3A_639, %get3A_640] {strides = array<i32>} : memref<4x100x128xf32, #tpu.memory_space<vmem>>, vector<1x1x16xf32>,
        %get3A_642 = vector.shape_cast %get3A_641 : vector<1x1x16xf32> to vector<16xf32>
        %add3A_643 = arith.addf %add3A_585, %get3A_642 : vector<16xf32>
        %get3A_644 = arith.constant 2 : i32
        %get3A_645 = arith.index_cast %get3A_644 : i32 to index
        %get3A_646 = arith.index_cast %scan3A_601 : i32 to index
        %get3A_647 = arith.constant 96 : index
        %get3A_648 = tpu.vector_load %arg6[%get3A_645, %get3A_646, %get3A_647] {strides = array<i32>} : memref<4x100x128xf32, #tpu.memory_space<vmem>>, vector<1x1x16xf32>,
        %get3A_649 = vector.shape_cast %get3A_648 : vector<1x1x16xf32> to vector<16xf32>
        %add3A_650 = arith.addf %add3A_592, %get3A_649 : vector<16xf32>
        %get3A_651 = arith.constant 2 : i32
        %get3A_652 = arith.index_cast %get3A_651 : i32 to index
        %get3A_653 = arith.index_cast %scan3A_601 : i32 to index
        %get3A_654 = arith.constant 112 : index
        %get3A_655 = tpu.vector_load %arg6[%get3A_652, %get3A_653, %get3A_654] {strides = array<i32>} : memref<4x100x128xf32, #tpu.memory_space<vmem>>, vector<1x1x16xf32>,
        %get3A_656 = vector.shape_cast %get3A_655 : vector<1x1x16xf32> to vector<16xf32>
        %add3A_657 = arith.addf %add3A_599, %get3A_656 : vector<16xf32>
        %get3A_658 = arith.constant 3 : i32
        %get3A_659 = arith.index_cast %get3A_658 : i32 to index
        %get3A_660 = arith.index_cast %scan3A_601 : i32 to index
        %get3A_661 = arith.constant 0 : index
        %get3A_662 = tpu.vector_load %arg6[%get3A_659, %get3A_660, %get3A_661] {strides = array<i32>} : memref<4x100x128xf32, #tpu.memory_space<vmem>>, vector<1x1x16xf32>,
        %get3A_663 = vector.shape_cast %get3A_662 : vector<1x1x16xf32> to vector<16xf32>
        %add3A_664 = arith.addf %add3A_608, %get3A_663 : vector<16xf32>
        %get3A_665 = arith.constant 3 : i32
        %get3A_666 = arith.index_cast %get3A_665 : i32 to index
        %get3A_667 = arith.index_cast %scan3A_601 : i32 to index
        %get3A_668 = arith.constant 16 : index
        %get3A_669 = tpu.vector_load %arg6[%get3A_666, %get3A_667, %get3A_668] {strides = array<i32>} : memref<4x100x128xf32, #tpu.memory_space<vmem>>, vector<1x1x16xf32>,
        %get3A_670 = vector.shape_cast %get3A_669 : vector<1x1x16xf32> to vector<16xf32>
        %add3A_671 = arith.addf %add3A_615, %get3A_670 : vector<16xf32>
        %get3A_672 = arith.constant 3 : i32
        %get3A_673 = arith.index_cast %get3A_672 : i32 to index
        %get3A_674 = arith.index_cast %scan3A_601 : i32 to index
        %get3A_675 = arith.constant 32 : index
        %get3A_676 = tpu.vector_load %arg6[%get3A_673, %get3A_674, %get3A_675] {strides = array<i32>} : memref<4x100x128xf32, #tpu.memory_space<vmem>>, vector<1x1x16xf32>,
        %get3A_677 = vector.shape_cast %get3A_676 : vector<1x1x16xf32> to vector<16xf32>
        %add3A_678 = arith.addf %add3A_622, %get3A_677 : vector<16xf32>
        %get3A_679 = arith.constant 3 : i32
        %get3A_680 = arith.index_cast %get3A_679 : i32 to index
        %get3A_681 = arith.index_cast %scan3A_601 : i32 to index
        %get3A_682 = arith.constant 48 : index
        %get3A_683 = tpu.vector_load %arg6[%get3A_680, %get3A_681, %get3A_682] {strides = array<i32>} : memref<4x100x128xf32, #tpu.memory_space<vmem>>, vector<1x1x16xf32>,
        %get3A_684 = vector.shape_cast %get3A_683 : vector<1x1x16xf32> to vector<16xf32>
        %add3A_685 = arith.addf %add3A_629, %get3A_684 : vector<16xf32>
        %get3A_686 = arith.constant 3 : i32
        %get3A_687 = arith.index_cast %get3A_686 : i32 to index
        %get3A_688 = arith.index_cast %scan3A_601 : i32 to index
        %get3A_689 = arith.constant 64 : index
        %get3A_690 = tpu.vector_load %arg6[%get3A_687, %get3A_688, %get3A_689] {strides = array<i32>} : memref<4x100x128xf32, #tpu.memory_space<vmem>>, vector<1x1x16xf32>,
        %get3A_691 = vector.shape_cast %get3A_690 : vector<1x1x16xf32> to vector<16xf32>
        %add3A_692 = arith.addf %add3A_636, %get3A_691 : vector<16xf32>
        %get3A_693 = arith.constant 3 : i32
        %get3A_694 = arith.index_cast %get3A_693 : i32 to index
        %get3A_695 = arith.index_cast %scan3A_601 : i32 to index
        %get3A_696 = arith.constant 80 : index
        %get3A_697 = tpu.vector_load %arg6[%get3A_694, %get3A_695, %get3A_696] {strides = array<i32>} : memref<4x100x128xf32, #tpu.memory_space<vmem>>, vector<1x1x16xf32>,
        %get3A_698 = vector.shape_cast %get3A_697 : vector<1x1x16xf32> to vector<16xf32>
        %add3A_699 = arith.addf %add3A_643, %get3A_698 : vector<16xf32>
        %get3A_700 = arith.constant 3 : i32
        %get3A_701 = arith.index_cast %get3A_700 : i32 to index
        %get3A_702 = arith.index_cast %scan3A_601 : i32 to index
        %get3A_703 = arith.constant 96 : index
        %get3A_704 = tpu.vector_load %arg6[%get3A_701, %get3A_702, %get3A_703] {strides = array<i32>} : memref<4x100x128xf32, #tpu.memory_space<vmem>>, vector<1x1x16xf32>,
        %get3A_705 = vector.shape_cast %get3A_704 : vector<1x1x16xf32> to vector<16xf32>
        %add3A_706 = arith.addf %add3A_650, %get3A_705 : vector<16xf32>
        %get3A_707 = arith.constant 3 : i32
        %get3A_708 = arith.index_cast %get3A_707 : i32 to index
        %get3A_709 = arith.index_cast %scan3A_601 : i32 to index
        %get3A_710 = arith.constant 112 : index
        %get3A_711 = tpu.vector_load %arg6[%get3A_708, %get3A_709, %get3A_710] {strides = array<i32>} : memref<4x100x128xf32, #tpu.memory_space<vmem>>, vector<1x1x16xf32>,
        %get3A_712 = vector.shape_cast %get3A_711 : vector<1x1x16xf32> to vector<16xf32>
        %add3A_713 = arith.addf %add3A_657, %get3A_712 : vector<16xf32>
        %scan3A_714 = arith.constant 4 : i32
        %scan3A_715 = arith.addi %scan3A_252, %scan3A_714 : i32
        %get3A_716 = arith.constant 2 : i32
        %get3A_717 = arith.index_cast %get3A_716 : i32 to index
        %get3A_718 = arith.index_cast %scan3A_715 : i32 to index
        %get3A_719 = arith.constant 0 : index
        %get3A_720 = tpu.vector_load %arg6[%get3A_717, %get3A_718, %get3A_719] {strides = array<i32>} : memref<4x100x128xf32, #tpu.memory_space<vmem>>, vector<1x1x16xf32>,
        %get3A_721 = vector.shape_cast %get3A_720 : vector<1x1x16xf32> to vector<16xf32>
        %add3A_722 = arith.addf %add3A_664, %get3A_721 : vector<16xf32>
        %get3A_723 = arith.constant 2 : i32
        %get3A_724 = arith.index_cast %get3A_723 : i32 to index
        %get3A_725 = arith.index_cast %scan3A_715 : i32 to index
        %get3A_726 = arith.constant 16 : index
        %get3A_727 = tpu.vector_load %arg6[%get3A_724, %get3A_725, %get3A_726] {strides = array<i32>} : memref<4x100x128xf32, #tpu.memory_space<vmem>>, vector<1x1x16xf32>,
        %get3A_728 = vector.shape_cast %get3A_727 : vector<1x1x16xf32> to vector<16xf32>
        %add3A_729 = arith.addf %add3A_671, %get3A_728 : vector<16xf32>
        %get3A_730 = arith.constant 2 : i32
        %get3A_731 = arith.index_cast %get3A_730 : i32 to index
        %get3A_732 = arith.index_cast %scan3A_715 : i32 to index
        %get3A_733 = arith.constant 32 : index
        %get3A_734 = tpu.vector_load %arg6[%get3A_731, %get3A_732, %get3A_733] {strides = array<i32>} : memref<4x100x128xf32, #tpu.memory_space<vmem>>, vector<1x1x16xf32>,
        %get3A_735 = vector.shape_cast %get3A_734 : vector<1x1x16xf32> to vector<16xf32>
        %add3A_736 = arith.addf %add3A_678, %get3A_735 : vector<16xf32>
        %get3A_737 = arith.constant 2 : i32
        %get3A_738 = arith.index_cast %get3A_737 : i32 to index
        %get3A_739 = arith.index_cast %scan3A_715 : i32 to index
        %get3A_740 = arith.constant 48 : index
        %get3A_741 = tpu.vector_load %arg6[%get3A_738, %get3A_739, %get3A_740] {strides = array<i32>} : memref<4x100x128xf32, #tpu.memory_space<vmem>>, vector<1x1x16xf32>,
        %get3A_742 = vector.shape_cast %get3A_741 : vector<1x1x16xf32> to vector<16xf32>
        %add3A_743 = arith.addf %add3A_685, %get3A_742 : vector<16xf32>
        %get3A_744 = arith.constant 2 : i32
        %get3A_745 = arith.index_cast %get3A_744 : i32 to index
        %get3A_746 = arith.index_cast %scan3A_715 : i32 to index
        %get3A_747 = arith.constant 64 : index
        %get3A_748 = tpu.vector_load %arg6[%get3A_745, %get3A_746, %get3A_747] {strides = array<i32>} : memref<4x100x128xf32, #tpu.memory_space<vmem>>, vector<1x1x16xf32>,
        %get3A_749 = vector.shape_cast %get3A_748 : vector<1x1x16xf32> to vector<16xf32>
        %add3A_750 = arith.addf %add3A_692, %get3A_749 : vector<16xf32>
        %get3A_751 = arith.constant 2 : i32
        %get3A_752 = arith.index_cast %get3A_751 : i32 to index
        %get3A_753 = arith.index_cast %scan3A_715 : i32 to index
        %get3A_754 = arith.constant 80 : index
        %get3A_755 = tpu.vector_load %arg6[%get3A_752, %get3A_753, %get3A_754] {strides = array<i32>} : memref<4x100x128xf32, #tpu.memory_space<vmem>>, vector<1x1x16xf32>,
        %get3A_756 = vector.shape_cast %get3A_755 : vector<1x1x16xf32> to vector<16xf32>
        %add3A_757 = arith.addf %add3A_699, %get3A_756 : vector<16xf32>
        %get3A_758 = arith.constant 2 : i32
        %get3A_759 = arith.index_cast %get3A_758 : i32 to index
        %get3A_760 = arith.index_cast %scan3A_715 : i32 to index
        %get3A_761 = arith.constant 96 : index
        %get3A_762 = tpu.vector_load %arg6[%get3A_759, %get3A_760, %get3A_761] {strides = array<i32>} : memref<4x100x128xf32, #tpu.memory_space<vmem>>, vector<1x1x16xf32>,
        %get3A_763 = vector.shape_cast %get3A_762 : vector<1x1x16xf32> to vector<16xf32>
        %add3A_764 = arith.addf %add3A_706, %get3A_763 : vector<16xf32>
        %get3A_765 = arith.constant 2 : i32
        %get3A_766 = arith.index_cast %get3A_765 : i32 to index
        %get3A_767 = arith.index_cast %scan3A_715 : i32 to index
        %get3A_768 = arith.constant 112 : index
        %get3A_769 = tpu.vector_load %arg6[%get3A_766, %get3A_767, %get3A_768] {strides = array<i32>} : memref<4x100x128xf32, #tpu.memory_space<vmem>>, vector<1x1x16xf32>,
        %get3A_770 = vector.shape_cast %get3A_769 : vector<1x1x16xf32> to vector<16xf32>
        %add3A_771 = arith.addf %add3A_713, %get3A_770 : vector<16xf32>
        %get3A_772 = arith.constant 3 : i32
        %get3A_773 = arith.index_cast %get3A_772 : i32 to index
        %get3A_774 = arith.index_cast %scan3A_715 : i32 to index
        %get3A_775 = arith.constant 0 : index
        %get3A_776 = tpu.vector_load %arg6[%get3A_773, %get3A_774, %get3A_775] {strides = array<i32>} : memref<4x100x128xf32, #tpu.memory_space<vmem>>, vector<1x1x16xf32>,
        %get3A_777 = vector.shape_cast %get3A_776 : vector<1x1x16xf32> to vector<16xf32>
        %add3A_778 = arith.addf %add3A_722, %get3A_777 : vector<16xf32>
        %get3A_779 = arith.constant 3 : i32
        %get3A_780 = arith.index_cast %get3A_779 : i32 to index
        %get3A_781 = arith.index_cast %scan3A_715 : i32 to index
        %get3A_782 = arith.constant 16 : index
        %get3A_783 = tpu.vector_load %arg6[%get3A_780, %get3A_781, %get3A_782] {strides = array<i32>} : memref<4x100x128xf32, #tpu.memory_space<vmem>>, vector<1x1x16xf32>,
        %get3A_784 = vector.shape_cast %get3A_783 : vector<1x1x16xf32> to vector<16xf32>
        %add3A_785 = arith.addf %add3A_729, %get3A_784 : vector<16xf32>
        %get3A_786 = arith.constant 3 : i32
        %get3A_787 = arith.index_cast %get3A_786 : i32 to index
        %get3A_788 = arith.index_cast %scan3A_715 : i32 to index
        %get3A_789 = arith.constant 32 : index
        %get3A_790 = tpu.vector_load %arg6[%get3A_787, %get3A_788, %get3A_789] {strides = array<i32>} : memref<4x100x128xf32, #tpu.memory_space<vmem>>, vector<1x1x16xf32>,
        %get3A_791 = vector.shape_cast %get3A_790 : vector<1x1x16xf32> to vector<16xf32>
        %add3A_792 = arith.addf %add3A_736, %get3A_791 : vector<16xf32>
        %get3A_793 = arith.constant 3 : i32
        %get3A_794 = arith.index_cast %get3A_793 : i32 to index
        %get3A_795 = arith.index_cast %scan3A_715 : i32 to index
        %get3A_796 = arith.constant 48 : index
        %get3A_797 = tpu.vector_load %arg6[%get3A_794, %get3A_795, %get3A_796] {strides = array<i32>} : memref<4x100x128xf32, #tpu.memory_space<vmem>>, vector<1x1x16xf32>,
        %get3A_798 = vector.shape_cast %get3A_797 : vector<1x1x16xf32> to vector<16xf32>
        %add3A_799 = arith.addf %add3A_743, %get3A_798 : vector<16xf32>
        %get3A_800 = arith.constant 3 : i32
        %get3A_801 = arith.index_cast %get3A_800 : i32 to index
        %get3A_802 = arith.index_cast %scan3A_715 : i32 to index
        %get3A_803 = arith.constant 64 : index
        %get3A_804 = tpu.vector_load %arg6[%get3A_801, %get3A_802, %get3A_803] {strides = array<i32>} : memref<4x100x128xf32, #tpu.memory_space<vmem>>, vector<1x1x16xf32>,
        %get3A_805 = vector.shape_cast %get3A_804 : vector<1x1x16xf32> to vector<16xf32>
        %add3A_806 = arith.addf %add3A_750, %get3A_805 : vector<16xf32>
        %get3A_807 = arith.constant 3 : i32
        %get3A_808 = arith.index_cast %get3A_807 : i32 to index
        %get3A_809 = arith.index_cast %scan3A_715 : i32 to index
        %get3A_810 = arith.constant 80 : index
        %get3A_811 = tpu.vector_load %arg6[%get3A_808, %get3A_809, %get3A_810] {strides = array<i32>} : memref<4x100x128xf32, #tpu.memory_space<vmem>>, vector<1x1x16xf32>,
        %get3A_812 = vector.shape_cast %get3A_811 : vector<1x1x16xf32> to vector<16xf32>
        %add3A_813 = arith.addf %add3A_757, %get3A_812 : vector<16xf32>
        %get3A_814 = arith.constant 3 : i32
        %get3A_815 = arith.index_cast %get3A_814 : i32 to index
        %get3A_816 = arith.index_cast %scan3A_715 : i32 to index
        %get3A_817 = arith.constant 96 : index
        %get3A_818 = tpu.vector_load %arg6[%get3A_815, %get3A_816, %get3A_817] {strides = array<i32>} : memref<4x100x128xf32, #tpu.memory_space<vmem>>, vector<1x1x16xf32>,
        %get3A_819 = vector.shape_cast %get3A_818 : vector<1x1x16xf32> to vector<16xf32>
        %add3A_820 = arith.addf %add3A_764, %get3A_819 : vector<16xf32>
        %get3A_821 = arith.constant 3 : i32
        %get3A_822 = arith.index_cast %get3A_821 : i32 to index
        %get3A_823 = arith.index_cast %scan3A_715 : i32 to index
        %get3A_824 = arith.constant 112 : index
        %get3A_825 = tpu.vector_load %arg6[%get3A_822, %get3A_823, %get3A_824] {strides = array<i32>} : memref<4x100x128xf32, #tpu.memory_space<vmem>>, vector<1x1x16xf32>,
        %get3A_826 = vector.shape_cast %get3A_825 : vector<1x1x16xf32> to vector<16xf32>
        %add3A_827 = arith.addf %add3A_771, %get3A_826 : vector<16xf32>
        scf.yield %add3A_778, %add3A_785, %add3A_792, %add3A_799, %add3A_806, %add3A_813, %add3A_820, %add3A_827 : vector<16xf32>, vector<16xf32>, vector<16xf32>, vector<16xf32>, vector<16xf32>, vector<16xf32>, vector<16xf32>, vector<16xf32>
      }
      %scan3A_204 = arith.constant 100 : i32
      %swap3A_205 = arith.index_cast %add3A_156 : i32 to index
      %swap3A_206 = arith.constant 0 : index
      %swap3A_207 = tpu.vector_load %arg7[%swap3A_205, %swap3A_206] {strides = array<i32>} : memref<128x128xf32, #tpu.memory_space<vmem>>, vector<1x16xf32>,
      %swap3A_208 = vector.shape_cast %swap3A_207 : vector<1x16xf32> to vector<16xf32>
      %swap3A_209 = vector.shape_cast %scan3A_203#0 : vector<16xf32> to vector<1x16xf32>
      tpu.vector_store %arg7[%swap3A_205, %swap3A_206], %swap3A_209 {strides = array<i32>} : memref<128x128xf32, #tpu.memory_space<vmem>>, vector<1x16xf32>,
      %swap3A_210 = arith.index_cast %add3A_156 : i32 to index
      %swap3A_211 = arith.constant 16 : index
      %swap3A_212 = tpu.vector_load %arg7[%swap3A_210, %swap3A_211] {strides = array<i32>} : memref<128x128xf32, #tpu.memory_space<vmem>>, vector<1x16xf32>,
      %swap3A_213 = vector.shape_cast %swap3A_212 : vector<1x16xf32> to vector<16xf32>
      %swap3A_214 = vector.shape_cast %scan3A_203#1 : vector<16xf32> to vector<1x16xf32>
      tpu.vector_store %arg7[%swap3A_210, %swap3A_211], %swap3A_214 {strides = array<i32>} : memref<128x128xf32, #tpu.memory_space<vmem>>, vector<1x16xf32>,
      %swap3A_215 = arith.index_cast %add3A_156 : i32 to index
      %swap3A_216 = arith.constant 32 : index
      %swap3A_217 = tpu.vector_load %arg7[%swap3A_215, %swap3A_216] {strides = array<i32>} : memref<128x128xf32, #tpu.memory_space<vmem>>, vector<1x16xf32>,
      %swap3A_218 = vector.shape_cast %swap3A_217 : vector<1x16xf32> to vector<16xf32>
      %swap3A_219 = vector.shape_cast %scan3A_203#2 : vector<16xf32> to vector<1x16xf32>
      tpu.vector_store %arg7[%swap3A_215, %swap3A_216], %swap3A_219 {strides = array<i32>} : memref<128x128xf32, #tpu.memory_space<vmem>>, vector<1x16xf32>,
      %swap3A_220 = arith.index_cast %add3A_156 : i32 to index
      %swap3A_221 = arith.constant 48 : index
      %swap3A_222 = tpu.vector_load %arg7[%swap3A_220, %swap3A_221] {strides = array<i32>} : memref<128x128xf32, #tpu.memory_space<vmem>>, vector<1x16xf32>,
      %swap3A_223 = vector.shape_cast %swap3A_222 : vector<1x16xf32> to vector<16xf32>
      %swap3A_224 = vector.shape_cast %scan3A_203#3 : vector<16xf32> to vector<1x16xf32>
      tpu.vector_store %arg7[%swap3A_220, %swap3A_221], %swap3A_224 {strides = array<i32>} : memref<128x128xf32, #tpu.memory_space<vmem>>, vector<1x16xf32>,
      %swap3A_225 = arith.index_cast %add3A_156 : i32 to index
      %swap3A_226 = arith.constant 64 : index
      %swap3A_227 = tpu.vector_load %arg7[%swap3A_225, %swap3A_226] {strides = array<i32>} : memref<128x128xf32, #tpu.memory_space<vmem>>, vector<1x16xf32>,
      %swap3A_228 = vector.shape_cast %swap3A_227 : vector<1x16xf32> to vector<16xf32>
      %swap3A_229 = vector.shape_cast %scan3A_203#4 : vector<16xf32> to vector<1x16xf32>
      tpu.vector_store %arg7[%swap3A_225, %swap3A_226], %swap3A_229 {strides = array<i32>} : memref<128x128xf32, #tpu.memory_space<vmem>>, vector<1x16xf32>,
      %swap3A_230 = arith.index_cast %add3A_156 : i32 to index
      %swap3A_231 = arith.constant 80 : index
      %swap3A_232 = tpu.vector_load %arg7[%swap3A_230, %swap3A_231] {strides = array<i32>} : memref<128x128xf32, #tpu.memory_space<vmem>>, vector<1x16xf32>,
      %swap3A_233 = vector.shape_cast %swap3A_232 : vector<1x16xf32> to vector<16xf32>
      %swap3A_234 = vector.shape_cast %scan3A_203#5 : vector<16xf32> to vector<1x16xf32>
      tpu.vector_store %arg7[%swap3A_230, %swap3A_231], %swap3A_234 {strides = array<i32>} : memref<128x128xf32, #tpu.memory_space<vmem>>, vector<1x16xf32>,
      %swap3A_235 = arith.index_cast %add3A_156 : i32 to index
      %swap3A_236 = arith.constant 96 : index
      %swap3A_237 = tpu.vector_load %arg7[%swap3A_235, %swap3A_236] {strides = array<i32>} : memref<128x128xf32, #tpu.memory_space<vmem>>, vector<1x16xf32>,
      %swap3A_238 = vector.shape_cast %swap3A_237 : vector<1x16xf32> to vector<16xf32>
      %swap3A_239 = vector.shape_cast %scan3A_203#6 : vector<16xf32> to vector<1x16xf32>
      tpu.vector_store %arg7[%swap3A_235, %swap3A_236], %swap3A_239 {strides = array<i32>} : memref<128x128xf32, #tpu.memory_space<vmem>>, vector<1x16xf32>,
      %swap3A_240 = arith.index_cast %add3A_156 : i32 to index
      %swap3A_241 = arith.constant 112 : index
      %swap3A_242 = tpu.vector_load %arg7[%swap3A_240, %swap3A_241] {strides = array<i32>} : memref<128x128xf32, #tpu.memory_space<vmem>>, vector<1x16xf32>,
      %swap3A_243 = vector.shape_cast %swap3A_242 : vector<1x16xf32> to vector<16xf32>
      %swap3A_244 = vector.shape_cast %scan3A_203#7 : vector<16xf32> to vector<1x16xf32>
      tpu.vector_store %arg7[%swap3A_240, %swap3A_241], %swap3A_244 {strides = array<i32>} : memref<128x128xf32, #tpu.memory_space<vmem>>, vector<1x16xf32>,
      %add3A_245 = arith.constant 2 : i32
      %add3A_246 = arith.addi %add3A_156, %add3A_245 : i32
      %lt3A_247 = arith.constant 128 : i32
      %lt3A_248 = arith.cmpi slt, %add3A_246, %lt3A_247 : i32
      %convert_element_type3A_249 = arith.extui %lt3A_248 : i1 to i32
      %cond3A_250 = arith.constant 0 : i32
      %cond3A_251 = arith.cmpi ne, %convert_element_type3A_249, %cond3A_250 : i32
      scf.if %cond3A_251 {
        %add3A_252 = arith.constant 2 : i32
        %add3A_253 = arith.addi %add3A_156, %add3A_252 : i32
        %dma_start3A_254 = arith.constant 0 : i32
        %dma_start3A_255 = arith.constant 2 : i32
        %dma_start3A_256 = arith.constant 0 : i32
        %dma_start3A_257 = arith.constant 0 : i32
        %dma_start3A_258 = tpu.memref_slice %arg6[%dma_start3A_255, %dma_start3A_256, %dma_start3A_257] : memref<4x100x128xf32, #tpu.memory_space<vmem>> -> memref<1x100x128xf32, #tpu.memory_space<vmem>>
        %dma_start3A_259 = tpu.memref_squeeze %dma_start3A_258 : memref<1x100x128xf32, #tpu.memory_space<vmem>> -> memref<100x128xf32, #tpu.memory_space<vmem>>
        %dma_start3A_260 = arith.constant 0 : i32
        %dma_start3A_261 = tpu.memref_slice %arg5[%add3A_253, %dma_start3A_254, %dma_start3A_260] : memref<128x2x100xi32, #tpu.memory_space<vmem>> -> memref<1x1x100xi32, #tpu.memory_space<vmem>>
        %dma_start3A_262 = tpu.memref_squeeze %dma_start3A_261 : memref<1x1x100xi32, #tpu.memory_space<vmem>> -> memref<100xi32, #tpu.memory_space<vmem>>
        %dma_start3A_263 = arith.constant 0 : i32
        %dma_start3A_264 = arith.constant 0 : i32
        %dma_start3A_265 = tpu.memref_slice %arg2[%dma_start3A_263, %dma_start3A_264] : memref<100000x128xf32, #tpu.memory_space<hbm>> -> memref<100000x128xf32, #tpu.memory_space<hbm>>
        tpu.enqueue_indirect_dma source(%dma_start3A_265 : memref<100000x128xf32, #tpu.memory_space<hbm>>) target(%dma_start3A_259 : memref<100x128xf32, #tpu.memory_space<vmem>>) offsets(%dma_start3A_262 : memref<100xi32, #tpu.memory_space<vmem>>) semaphore(%arg10 : memref<!tpu.dma_semaphore, #tpu.memory_space<semaphore_mem>>)
        %add3A_266 = arith.constant 2 : i32
        %add3A_267 = arith.addi %add3A_156, %add3A_266 : i32
        %dma_start3A_268 = arith.constant 1 : i32
        %dma_start3A_269 = arith.constant 3 : i32
        %dma_start3A_270 = arith.constant 0 : i32
        %dma_start3A_271 = arith.constant 0 : i32
        %dma_start3A_272 = tpu.memref_slice %arg6[%dma_start3A_269, %dma_start3A_270, %dma_start3A_271] : memref<4x100x128xf32, #tpu.memory_space<vmem>> -> memref<1x100x128xf32, #tpu.memory_space<vmem>>
        %dma_start3A_273 = tpu.memref_squeeze %dma_start3A_272 : memref<1x100x128xf32, #tpu.memory_space<vmem>> -> memref<100x128xf32, #tpu.memory_space<vmem>>
        %dma_start3A_274 = arith.constant 0 : i32
        %dma_start3A_275 = tpu.memref_slice %arg5[%add3A_267, %dma_start3A_268, %dma_start3A_274] : memref<128x2x100xi32, #tpu.memory_space<vmem>> -> memref<1x1x100xi32, #tpu.memory_space<vmem>>
        %dma_start3A_276 = tpu.memref_squeeze %dma_start3A_275 : memref<1x1x100xi32, #tpu.memory_space<vmem>> -> memref<100xi32, #tpu.memory_space<vmem>>
        %dma_start3A_277 = arith.constant 0 : i32
        %dma_start3A_278 = arith.constant 0 : i32
        %dma_start3A_279 = tpu.memref_slice %arg2[%dma_start3A_277, %dma_start3A_278] : memref<100000x128xf32, #tpu.memory_space<hbm>> -> memref<100000x128xf32, #tpu.memory_space<hbm>>
        tpu.enqueue_indirect_dma source(%dma_start3A_279 : memref<100000x128xf32, #tpu.memory_space<hbm>>) target(%dma_start3A_273 : memref<100x128xf32, #tpu.memory_space<vmem>>) offsets(%dma_start3A_276 : memref<100xi32, #tpu.memory_space<vmem>>) semaphore(%arg11 : memref<!tpu.dma_semaphore, #tpu.memory_space<semaphore_mem>>)
      } else {
      }
    }
    %scan3A_58 = arith.constant 64 : i32
    "tpu.region"() ({
      %run_scoped3A = tpu.sem_alloc : memref<!tpu.dma_semaphore, #tpu.memory_space<semaphore_mem>>
      %dma_start3A_59 = arith.constant 0 : i32
      %dma_start3A_60 = tpu.memref_slice %arg4[%mul3A_2, %dma_start3A_59] : memref<4096x128xf32, #tpu.memory_space<hbm>> -> memref<128x128xf32, #tpu.memory_space<hbm>>
      %dma_start3A_61 = arith.constant 0 : i32
      %dma_start3A_62 = tpu.memref_slice %arg4[%mul3A_2, %dma_start3A_61] : memref<4096x128xf32, #tpu.memory_space<hbm>> -> memref<128x128xf32, #tpu.memory_space<hbm>>
      tpu.enqueue_dma source(%arg7 : memref<128x128xf32, #tpu.memory_space<vmem>>) target(%dma_start3A_62 : memref<128x128xf32, #tpu.memory_space<hbm>>) target_semaphore(%run_scoped3A : memref<!tpu.dma_semaphore, #tpu.memory_space<semaphore_mem>>)
      %dma_wait3A = arith.constant 0 : i32
      %dma_wait3A_63 = tpu.memref_slice %arg4[%mul3A_2, %dma_wait3A] : memref<4096x128xf32, #tpu.memory_space<hbm>> -> memref<128x128xf32, #tpu.memory_space<hbm>>
      %dma_wait3A_64 = arith.constant 0 : i32
      %dma_wait3A_65 = tpu.memref_slice %arg4[%mul3A_2, %dma_wait3A_64] : memref<4096x128xf32, #tpu.memory_space<hbm>> -> memref<128x128xf32, #tpu.memory_space<hbm>>
      tpu.wait_dma2 semaphore(%run_scoped3A : memref<!tpu.dma_semaphore, #tpu.memory_space<semaphore_mem>>) src(%arg7 : memref<128x128xf32, #tpu.memory_space<vmem>>) dst(%dma_wait3A_65 : memref<128x128xf32, #tpu.memory_space<hbm>>)
      tpu.yield
    }) : () -> ()
    return
  }
}

module attributes {stable_mosaic.version = 14 : i64} {
  func.func @_ew_body(%arg0: i32, %arg1: memref<300x2560xf32, #tpu.memory_space<vmem>>, %arg2: memref<300x128xf32, #tpu.memory_space<vmem>>, %arg3: memref<2560x128xf32, #tpu.memory_space<vmem>>) attributes {dimension_semantics = [#tpu.dimension_semantics<arbitrary>], iteration_bounds = array<i64: 40>, scalar_prefetch = 0 : i64, scratch_operands = 0 : i64, tpu.core_type = #tpu.core_type<tc>, window_params = [{transform_indices = @transform_0, window_bounds = array<i64: 300, 2560>}, {pipeline_mode = #tpu.pipeline_mode<synchronous>, transform_indices = @transform_1, window_bounds = array<i64: 300, 128>}, {transform_indices = @transform_2, window_bounds = array<i64: 2560, 128>}]} {
    %get3A = arith.constant 0 : index
    %get3A_0 = arith.constant 0 : index
    %get3A_1 = vector.load %arg1[%get3A, %get3A_0] : memref<300x2560xf32, #tpu.memory_space<vmem>>, vector<300x2560xf32>
    %get3A_2 = arith.constant 0 : index
    %get3A_3 = arith.constant 0 : index
    %get3A_4 = vector.load %arg2[%get3A_2, %get3A_3] : memref<300x128xf32, #tpu.memory_space<vmem>>, vector<300x128xf32>
    %dot_general3A = arith.constant dense<0.000000e+00> : vector<2560x128xf32>
    %dot_general3A_5 = tpu.matmul %get3A_1, %get3A_4, %dot_general3A {dimension_numbers = #tpu.dot_dimension_numbers<[0], [0], [1], [1], [0, 1, 1, 1], [], []>, transpose_lhs_hint = false} : vector<300x2560xf32>, vector<300x128xf32>, vector<2560x128xf32> -> vector<2560x128xf32>
    %swap3A = arith.constant 0 : index
    %swap3A_6 = arith.constant 0 : index
    %swap3A_7 = vector.load %arg3[%swap3A, %swap3A_6] : memref<2560x128xf32, #tpu.memory_space<vmem>>, vector<2560x128xf32>
    tpu.vector_store %arg3[%swap3A, %swap3A_6], %dot_general3A_5 {strides = array<i32>} : memref<2560x128xf32, #tpu.memory_space<vmem>>, vector<2560x128xf32>,
    return
  }
  func.func @transform_0(%arg0: i32) -> (i32, i32) {
    %c0_i32 = arith.constant 0 : i32
    %c0_i32_0 = arith.constant 0 : i32
    return %c0_i32, %arg0 : i32, i32
  }
  func.func @transform_1(%arg0: i32) -> (i32, i32) {
    %c0_i32 = arith.constant 0 : i32
    %c0_i32_0 = arith.constant 0 : i32
    %c0_i32_1 = arith.constant 0 : i32
    return %c0_i32, %c0_i32_0 : i32, i32
  }
  func.func @transform_2(%arg0: i32) -> (i32, i32) {
    %c0_i32 = arith.constant 0 : i32
    %c0_i32_0 = arith.constant 0 : i32
    return %arg0, %c0_i32 : i32, i32
  }
}

module attributes {stable_mosaic.version = 14 : i64} {
  func.func @_mlp_body(%arg0: memref<4096x128xf32, #tpu.memory_space<vmem>>, %arg1: memref<1x128xf32, #tpu.memory_space<vmem>>, %arg2: memref<128x128xf32, #tpu.memory_space<vmem>>, %arg3: memref<1x128xf32, #tpu.memory_space<vmem>>, %arg4: memref<128x128xf32, #tpu.memory_space<vmem>>, %arg5: memref<1x128xf32, #tpu.memory_space<vmem>>, %arg6: memref<128x128xf32, #tpu.memory_space<vmem>>, %arg7: memref<1x128xf32, #tpu.memory_space<vmem>>, %arg8: memref<128x128xf32, #tpu.memory_space<vmem>>, %arg9: memref<1x128xf32, #tpu.memory_space<vmem>>, %arg10: memref<4096x128xf32, #tpu.memory_space<vmem>>) attributes {dimension_semantics = [], scalar_prefetch = 0 : i64, scratch_operands = 0 : i64, tpu.core_type = #tpu.core_type<tc>} {
    %get3A = arith.constant 0 : index
    %get3A_0 = arith.constant 0 : index
    %get3A_1 = vector.load %arg0[%get3A, %get3A_0] : memref<4096x128xf32, #tpu.memory_space<vmem>>, vector<4096x128xf32>
    %get3A_2 = arith.constant 0 : index
    %get3A_3 = arith.constant 0 : index
    %get3A_4 = vector.load %arg1[%get3A_2, %get3A_3] : memref<1x128xf32, #tpu.memory_space<vmem>>, vector<1x128xf32>
    %add3A = vector.broadcast %get3A_4 : vector<1x128xf32> to vector<4096x128xf32>
    %add3A_5 = arith.addf %get3A_1, %add3A : vector<4096x128xf32>
    %tanh3A = math.tanh %add3A_5 : vector<4096x128xf32>
    %get3A_6 = arith.constant 0 : index
    %get3A_7 = arith.constant 0 : index
    %get3A_8 = vector.load %arg2[%get3A_6, %get3A_7] : memref<128x128xf32, #tpu.memory_space<vmem>>, vector<128x128xf32>
    %dot_general3A = arith.constant dense<0.000000e+00> : vector<4096x128xf32>
    %dot_general3A_9 = tpu.matmul %tanh3A, %get3A_8, %dot_general3A {dimension_numbers = #tpu.dot_dimension_numbers<[1], [0], [0], [1], [0, 0, 1, 1], [], []>, transpose_lhs_hint = false} : vector<4096x128xf32>, vector<128x128xf32>, vector<4096x128xf32> -> vector<4096x128xf32>
    %get3A_10 = arith.constant 0 : index
    %get3A_11 = arith.constant 0 : index
    %get3A_12 = vector.load %arg3[%get3A_10, %get3A_11] : memref<1x128xf32, #tpu.memory_space<vmem>>, vector<1x128xf32>
    %add3A_13 = vector.broadcast %get3A_12 : vector<1x128xf32> to vector<4096x128xf32>
    %add3A_14 = arith.addf %dot_general3A_9, %add3A_13 : vector<4096x128xf32>
    %max3A = arith.constant 0.000000e+00 : f32
    %max3A_15 = vector.broadcast %max3A : f32 to vector<4096x128xf32>
    %max3A_16 = arith.maximumf %add3A_14, %max3A_15 : vector<4096x128xf32>
    %get3A_17 = arith.constant 0 : index
    %get3A_18 = arith.constant 0 : index
    %get3A_19 = vector.load %arg4[%get3A_17, %get3A_18] : memref<128x128xf32, #tpu.memory_space<vmem>>, vector<128x128xf32>
    %dot_general3A_20 = arith.constant dense<0.000000e+00> : vector<4096x128xf32>
    %dot_general3A_21 = tpu.matmul %max3A_16, %get3A_19, %dot_general3A_20 {dimension_numbers = #tpu.dot_dimension_numbers<[1], [0], [0], [1], [0, 0, 1, 1], [], []>, transpose_lhs_hint = false} : vector<4096x128xf32>, vector<128x128xf32>, vector<4096x128xf32> -> vector<4096x128xf32>
    %get3A_22 = arith.constant 0 : index
    %get3A_23 = arith.constant 0 : index
    %get3A_24 = vector.load %arg5[%get3A_22, %get3A_23] : memref<1x128xf32, #tpu.memory_space<vmem>>, vector<1x128xf32>
    %add3A_25 = vector.broadcast %get3A_24 : vector<1x128xf32> to vector<4096x128xf32>
    %add3A_26 = arith.addf %dot_general3A_21, %add3A_25 : vector<4096x128xf32>
    %max3A_27 = arith.constant 0.000000e+00 : f32
    %max3A_28 = vector.broadcast %max3A_27 : f32 to vector<4096x128xf32>
    %max3A_29 = arith.maximumf %add3A_26, %max3A_28 : vector<4096x128xf32>
    %get3A_30 = arith.constant 0 : index
    %get3A_31 = arith.constant 0 : index
    %get3A_32 = vector.load %arg6[%get3A_30, %get3A_31] : memref<128x128xf32, #tpu.memory_space<vmem>>, vector<128x128xf32>
    %dot_general3A_33 = arith.constant dense<0.000000e+00> : vector<4096x128xf32>
    %dot_general3A_34 = tpu.matmul %max3A_29, %get3A_32, %dot_general3A_33 {dimension_numbers = #tpu.dot_dimension_numbers<[1], [0], [0], [1], [0, 0, 1, 1], [], []>, transpose_lhs_hint = false} : vector<4096x128xf32>, vector<128x128xf32>, vector<4096x128xf32> -> vector<4096x128xf32>
    %get3A_35 = arith.constant 0 : index
    %get3A_36 = arith.constant 0 : index
    %get3A_37 = vector.load %arg7[%get3A_35, %get3A_36] : memref<1x128xf32, #tpu.memory_space<vmem>>, vector<1x128xf32>
    %add3A_38 = vector.broadcast %get3A_37 : vector<1x128xf32> to vector<4096x128xf32>
    %add3A_39 = arith.addf %dot_general3A_34, %add3A_38 : vector<4096x128xf32>
    %max3A_40 = arith.constant 0.000000e+00 : f32
    %max3A_41 = vector.broadcast %max3A_40 : f32 to vector<4096x128xf32>
    %max3A_42 = arith.maximumf %add3A_39, %max3A_41 : vector<4096x128xf32>
    %get3A_43 = arith.constant 0 : index
    %get3A_44 = arith.constant 0 : index
    %get3A_45 = vector.load %arg8[%get3A_43, %get3A_44] : memref<128x128xf32, #tpu.memory_space<vmem>>, vector<128x128xf32>
    %dot_general3A_46 = arith.constant dense<0.000000e+00> : vector<4096x128xf32>
    %dot_general3A_47 = tpu.matmul %max3A_42, %get3A_45, %dot_general3A_46 {dimension_numbers = #tpu.dot_dimension_numbers<[1], [0], [0], [1], [0, 0, 1, 1], [], []>, transpose_lhs_hint = false} : vector<4096x128xf32>, vector<128x128xf32>, vector<4096x128xf32> -> vector<4096x128xf32>
    %get3A_48 = arith.constant 0 : index
    %get3A_49 = arith.constant 0 : index
    %get3A_50 = vector.load %arg9[%get3A_48, %get3A_49] : memref<1x128xf32, #tpu.memory_space<vmem>>, vector<1x128xf32>
    %add3A_51 = vector.broadcast %get3A_50 : vector<1x128xf32> to vector<4096x128xf32>
    %add3A_52 = arith.addf %dot_general3A_47, %add3A_51 : vector<4096x128xf32>
    %swap3A = arith.constant 0 : index
    %swap3A_53 = arith.constant 0 : index
    %swap3A_54 = vector.load %arg10[%swap3A, %swap3A_53] : memref<4096x128xf32, #tpu.memory_space<vmem>>, vector<4096x128xf32>
    tpu.vector_store %arg10[%swap3A, %swap3A_53], %add3A_52 {strides = array<i32>} : memref<4096x128xf32, #tpu.memory_space<vmem>>, vector<4096x128xf32>,
    return
  }
}

</mosaic_0001>

<sc_bundles>
// kernel: kernel.5.cloned.1.call-start
scs
__scs_entry_jumppad:
0x0: {  	(pc) =	sbr.rel $0x88, $3  }
0x1: {  	(tag) =	ssettag $0x0;
	lr =	simm.s32 $0x1  }
0x2: {  	[smem:$0x3F95] =	sst lr;
	_ =	strace $0xD0000000  }
0x3: {  	_ = 	snop  }
0x4: {  	_ = 	snop  }
0x5: {  	_ = 	snop  }
0x6: {  	_ = 	snop  }
0x7: {  	_ = 	snop  }
__scs_overlays_trampoline_lowered:
0x8: {  	[smem:$0x3FA4] =	sst s0  }
0x9: {  	[smem:$0x3FA5] =	sst s1  }
0xa: {  	[smem:$0x3FA6] =	sst s2  }
0xb: {  	[smem:$0x3FA7] =	sst s3  }
0xc: {  	[smem:$0x3FA8] =	sst s4  }
0xd: {  	[smem:$0x3FA9] =	sst s5  }
0xe: {  	[smem:$0x3FAA] =	sst s6  }
0xf: {  	[smem:$0x3FAB] =	sst s7  }
0x10: {  	[smem:$0x3FAC] =	sst s8  }
0x11: {  	[smem:$0x3FAD] =	sst s9;
	s0 =	simm.s32 @!p0 $0x0  }
0x12: {  	s1 =	sld [smem:$0x3F93];
	s0 =	simm.s32 @p0 $0x1  }
0x13: {  	[smem:$0x3FAE] =	sst s0;
	s0 =	simm.s32 @!p1 $0x0  }
0x14: {  	s2 =	sld [smem:$0x3F92];
	s0 =	simm.s32 @p1 $0x1  }
0x15: {  	[smem:$0x3FAF] =	sst s0;
	s0 =	simm.s32 @!p2 $0x0  }
0x16: {  	s3 =	sld [smem:$0x3FDB];
	s0 =	simm.s32 @p2 $0x1  }
0x17: {  	s4 =	simm.s32 $0x1BF5;
	[smem:$0x3FB1] =	sst s0  }
0x18: {  	s0 =	sld [smem:$0x3F94];
	_ =	swait.ge [sflag:s4], $0x0  }
0x19: {  	s7 =	sld [smem:$0x3F95]  }
0x1a: {  	s8 =	sadd.s32 $0xFFFFE003, lr  }
0x1b: {  	s9 =	sadd.s32 $0xFFFFFEF7, lr;
	s5 =	simm.s32 $0xFFFFFFFF;
	p2 =	slt.u32 s8, $0xFFFFF086  }
0x1c: {  	p1 =	slt.u32 s9, $0xF7A;
	s5 =	simm.s32 @!p2 $0x0  }
0x1d: {  	s5 =	simm.s32 @p1 $0x1;
	p0 =	seq.s32 s7, s2  }
0x1e: {  	s7 =	smul.u32 @!p0 $0xF7A, s2;
	p2 =	seq.s32 @!p0 s5, $0x0  }
0x1f: {  	s9 =	smul.u32 $0xF7A, s1;
	s8 =	simm.s32 @!p0 $0x1BF5;
	p2 =	por !p2, p0  }
0x20: {  	[sflag:s8] =	ssyncset.s32 @!p0 $0xFFFFF086;
	s6 =	sadd.s32 @!p0 s3, s7;
	s7 =	simm.s32 @!p0 $0x108  }
0x21: {  	s3 =	sadd.s32 s3, s9;
	s6 =	sadd.s32 @!p0 $0x88, s6;
	s7 =	simm.s32 @p2 $0x1082  }
0x22: {  	[simem:s7], [sflag:s8] =	dma.local @!p0 [hbm:s6], $0xF7A  }
0x23: {  	s9 =	sor.u32 $0xD0000000, s2;
	s6 =	simm.s32 $0x108;
	_ =	swait.ge @!p0 [sflag:s8], $0x0  }
0x24: {  	s3 =	sadd.s32 $0x88, s3;
	s6 =	simm.s32 @!p1 $0x1082;
	[sflag:s4] =	ssyncset.s32 $0xFFFFF086  }
0x25: {  	[simem:s6], [sflag:s4] =	dma.local [hbm:s3], $0xF7A  }
0x26: {  	[smem:$0x3F95] =	sst s1;
	(tag) =	ssettag s2;
	_ =	strace s9  }
0x27: {  	s1 =	sld [smem:$0x3FA5]  }
0x28: {  	s2 =	sld [smem:$0x3FA6]  }
0x29: {  	s4 =	sld [smem:$0x3FA8]  }
0x2a: {  	p0 =	seq.s32 s5, $0x0;
	s5 =	sld [smem:$0x3FA9]  }
0x2b: {  	s6 =	sld [smem:$0x3FAA]  }
0x2c: {  	s7 =	sld [smem:$0x3FAB]  }
0x2d: {  	s3 =	simm.s32 $0x108;
	s8 =	sld [smem:$0x3FAC]  }
0x2e: {  	s3 =	simm.s32 @!p0 $0x1082;
	s9 =	sld [smem:$0x3FAD]  }
0x2f: {  	lr =	sadd.s32 s0, s3;
	s0 =	sld [smem:$0x3FA4]  }
0x30: {  	s3 =	sld [smem:$0x3FA7]  }
0x31: {  	[smem:$0x3FB0] =	sst s10  }
0x32: {  	s10 =	sld [smem:$0x3FAE];
	_ =	sdelay $0x3  }
0x33: {  	p0 =	seq.s32 s10, $0x1;
	s10 =	sld [smem:$0x3FB0];
	_ =	sdelay $0x3  }
0x34: {  	[smem:$0x3FB0] =	sst s10  }
0x35: {  	s10 =	sld [smem:$0x3FAF];
	_ =	sdelay $0x3  }
0x36: {  	p1 =	seq.s32 s10, $0x1;
	s10 =	sld [smem:$0x3FB0];
	_ =	sdelay $0x3  }
0x37: {  	[smem:$0x3FB0] =	sst s10  }
0x38: {  	s10 =	sld [smem:$0x3FB1]  }
0x39: {  	_ = 	snop;
	(pc) =	sbr.ind lr, $3  }
0x3a: {  	_ = 	snop  }
0x3b: {  	_ = 	snop  }
0x3c: {  	p2 =	seq.s32 s10, $0x1;
	s10 =	sld [smem:$0x3FB0]  }
0x3d: {  	_ =	shalt  }
0x3e: {  	_ =	shalt  }
0x3f: {  	_ =	shalt  }
0x40: {  	_ =	shalt  }
0x41: {  	_ =	shalt  }
0x42: {  	_ =	shalt  }
0x43: {  	_ =	shalt  }
0x44: {  	_ =	shalt  }
0x45: {  	_ =	shalt  }
0x46: {  	_ =	shalt  }
0x47: {  	_ =	shalt  }
0x48: {  	_ =	shalt  }
0x49: {  	_ =	shalt  }
0x4a: {  	_ =	shalt  }
0x4b: {  	_ =	shalt  }
0x4c: {  	_ =	shalt  }
0x4d: {  	_ =	shalt  }
0x4e: {  	_ =	shalt  }
0x4f: {  	_ =	shalt  }
0x50: {  	_ =	shalt  }
0x51: {  	_ =	shalt  }
0x52: {  	_ =	shalt  }
0x53: {  	_ =	shalt  }
0x54: {  	_ =	shalt  }
0x55: {  	_ =	shalt  }
0x56: {  	_ =	shalt  }
0x57: {  	_ =	shalt  }
0x58: {  	_ =	shalt  }
0x59: {  	_ =	shalt  }
0x5a: {  	_ =	shalt  }
0x5b: {  	_ =	shalt  }
0x5c: {  	_ =	shalt  }
0x5d: {  	_ =	shalt  }
0x5e: {  	_ =	shalt  }
0x5f: {  	_ =	shalt  }
0x60: {  	_ =	shalt  }
0x61: {  	_ =	shalt  }
0x62: {  	_ =	shalt  }
0x63: {  	_ =	shalt  }
0x64: {  	_ =	shalt  }
0x65: {  	_ =	shalt  }
0x66: {  	_ =	shalt  }
0x67: {  	_ =	shalt  }
0x68: {  	_ =	shalt  }
0x69: {  	_ =	shalt  }
0x6a: {  	_ =	shalt  }
0x6b: {  	_ =	shalt  }
0x6c: {  	_ =	shalt  }
0x6d: {  	_ =	shalt  }
0x6e: {  	_ =	shalt  }
0x6f: {  	_ =	shalt  }
0x70: {  	_ =	shalt  }
0x71: {  	_ =	shalt  }
0x72: {  	_ =	shalt  }
0x73: {  	_ =	shalt  }
0x74: {  	_ =	shalt  }
0x75: {  	_ =	shalt  }
0x76: {  	_ =	shalt  }
0x77: {  	_ =	shalt  }
0x78: {  	_ =	shalt  }
0x79: {  	_ =	shalt  }
0x7a: {  	_ =	shalt  }
0x7b: {  	_ =	shalt  }
0x7c: {  	_ =	shalt  }
0x7d: {  	_ =	shalt  }
0x7e: {  	_ =	shalt  }
0x7f: {  	_ =	shalt  }
0x80: {  	_ =	shalt  }
0x81: {  	_ =	shalt  }
0x82: {  	_ =	shalt  }
0x83: {  	_ =	shalt  }
0x84: {  	_ =	shalt  }
0x85: {  	_ =	shalt  }
0x86: {  	_ =	shalt  }
0x87: {  	_ =	shalt  }
.Lfunc_end0:
.L_simem_size_0:
called_computation_lowered:
.L_overlay_start_0:
0x88: {  	s2 =	sld [smem:$0x3FD9]  }
0x89: {  	s3 =	sld [smem:$0x3FFE];
	_ =	sdelay $0x1  }
0x8a: {  	s1 =	srdreg.scid  }
0x8b: {  	s0 =	sand.u32 $0x1, s1  }
0x8c: {  	s16 =	sshll.u32 s0, $0xA;
	s2 =	sadd.s32 s3, s2  }
0x8d: {  	s2 =	sadd.s32 s2, s16  }
0x8e: {  	[smem:$0x3FBC] =	sst s2  }
0x8f: {  	_ = 	snop  }
0x90: {  	(tm) =	ssettm $0x1  }
0x91: {  	s17 =	sld [smem:$0x3FFB];
	_ =	sdelay $0x3  }
0x92: {  	_ =	strace s17  }
0x93: {  	s2 =	sld [smem:$0x3FFC];
	_ =	sdelay $0x3  }
0x94: {  	_ =	strace s2  }
0x95: {  	s2 =	sld [smem:$0x3FFD];
	_ =	sdelay $0x3  }
0x96: {  	_ =	strace s2  }
0x97: {  	_ =	strace $0x8FFFFFFF  }
0x98: {  	s18 =	sld [smem:$0x3FDB];
	_ =	sdelay $0x1  }
0x99: {  	s19 =	simm.s32 $_scs_section_size  }
0x9a: {  	s4 =	simm.s32 $_size__tile_overlayer_lowered;
	s5 =	simm.s32 $_tile_overlayer_lowered  }
0x9b: {  	s22 =	simm.s32 $0x1BFF;
	s21 =	sshll.u32 s5, $0x1;
	s2 =	sadd.s32 s19, s18  }
0x9c: {  	s6 =	simm.s32 $0x0;
	s20 =	sshll.u32 s4, $0x1;
	s4 =	sadd.s32 s21, s2  }
0x9d: {  	[timem:s6], [sflag:s22] =	dma.local [hbm:s4], s20  }
0x9e: {  	_ =	swait.ge [sflag:s22], s20  }
0x9f: {  	s3 =	ssub.s32 $0x0, s20;
	[sflag:s22] =	ssyncset.done $0x0  }
0xa0: {  	[sflag:s22] =	ssyncadd.s32 s3;
	_ =	sdelay $0x1  }
0xa1: {  	s23 =	simm.s32 $0x1B8B  }
0xa2: {  	_ =	swait.ge [sflag:s23], $0x1  }
0xa3: {  	[sflag:s23] =	ssyncset.done $0x0  }
0xa4: {  	s25 =	simm.s32 $0x1B8E;
	s24 =	sld [smem:$0x3FFE];
	[sflag:s23] =	ssyncadd.s32 $0xFFFFFFFF  }
0xa5: {  	s26 =	simm.s32 $execute0_lowered;
	[smem:$0x3FD2] =	sst s25  }
0xa6: {  	s4 =	sshll.u32 s26, $0x1;
	_ =	strace $0x80000046;
	[dreg:$0x1] =	wrdreg $0xFFFFFFFF  }
0xa7: {  	s28 =	simm.s32 $_size_execute0_lowered;
	s2 =	sadd.s32 s2, s4;
	[dreg:$0x0] =	wrdreg $0x0  }
0xa8: {  	s4 =	sshll.u32 s28, $0x1;
	[dreg:$0x2] =	wrdreg s2  }
0xa9: {  	[dreg:$0x3] =	wrdreg s4  }
0xaa: {  	[dreg:$0x4] =	wrdreg $0xC0  }
0xab: {  	_ =	task [dreg:s6], $0x5FFFF  }
0xac: {  	[dreg:$0x1] =	wrdreg $0xFFFFFFFF  }
0xad: {  	[dreg:$0x0] =	wrdreg $0x60  }
0xae: {  	[dreg:$0x2] =	wrdreg s24  }
0xaf: {  	[dreg:$0x3] =	wrdreg $0x9  }
0xb0: {  	_ =	task.clear_ibuf [dreg:s6], $0x4FFFF;
	_ =	strace $0x90000046  }
0xb1: {  	s29 =	simm.s32 $0x9;
	_ =	strace $0x80000048  }
0xb2: {  	_ =	swait.ge [sflag:s29], $0x1  }
0xb3: {  	[sflag:s29] =	ssyncadd.s32 $0xFFFFFFFF  }
0xb4: {  	_ =	strace $0x90000048  }
0xb5: {  	_ =	sfence  }
0xb6: {  	s30 =	sld [smem:$0x0];
	_ =	sdelay $0x2  }
0xb7: {  	s31 =	sshll.u32 s1, $0xD;
	s1 =	sshrl.u32 s1, $0x2  }
0xb8: {  	s3 =	sand.u32 $0x4000, s31;
	s1 =	sadd.s32 s1, s30  }
0xb9: {  	s0 =	sor.u32 s3, s0;
	s1 =	sshll.u32 s1, $0x11  }
0xba: {  	s0 =	sor.u32 s1, s0  }
0xbb: {  	s0 =	sadd.s32 $0x8F2B, s0  }
0xbc: {  	[sflag:s0] =	ssyncadd.remote.s32 $0x1  }
0xbd: {  	_ =	sfence.sel $0xFFFF  }
0xbe: {  	[dreg:$0x0] =	wrdreg $0xFFFFFFFF;
	(pc) =	sbr.abs _section_cstart, $3  }
0xbf: {  	[dreg:$0x1] =	wrdreg $0xFFFFFFFF  }
0xc0: {  	_ =	task.clear_ibuf [dreg:s6], $0x2FFFF;
	_ =	strace $0x9FFFFFFF  }
0xc1: {  	(tm) =	ssettm $0x7FFFFFFF  }
tec
execute0_lowered:
.L_overlay_start_1:
0x0: {  	(tag) =	ssettag $0x1  }
0x1: {  	s4 =	rddreg [dreg:$0x0]  }
0x2: {  	s0 =	rddreg [dreg:$0x1]  }
0x3: {  	s2 =	simm.s32 $0x0;
	s3 =	srdreg.scid;
	s1 =	stileid.u32  }
0x4: {  	s9 =	simm.s32 $0x8000;
	s10 =	simm.s32 $0x80;
	s11 =	simm.s32 $0xB400  }
0x5: {  	s12 =	simm.s32 $0x100;
	s13 =	simm.s32 $0xE800;
	s14 =	simm.s32 $0x180  }
0x6: {  	s15 =	simm.s32 $0x11C00;
	s16 =	simm.s32 $0x1;
	s17 =	simm.s32 $0x2  }
0x7: {  	s18 =	simm.s32 $0x3;
	s19 =	simm.s32 $0x4;
	s20 =	simm.s32 $0x15000  }
0x8: {  	s21 =	simm.s32 $0x0;
	[smem:$0x7FF] =	sst s2;
	s5 =	sand.u32 $0x1, s3  }
0x9: {  	s6 =	sshll.u32 s1, $0x8;
	s3 =	sadd.s32 $0x21E00, s4;
	s7 =	sshll.u32 s5, $0x7  }
.Ltmp0:
0xa: {  	_ =	strace $0x80000047;
	s6 =	sor.u32 s7, s6;
	(pc) =	sbr.rel .LBB2_1-.Ltmp0, $4  }
0xb: {  	s5 =	ssub.s32 $0x2, s5;
	s7 =	sshll.u32 s6, $0x5;
	s6 =	sshll.u32 s6, $0x4  }
0xc: {  	s8 =	sshrl.u32 s5, $0x1;
	s7 =	sadd.s32 s7, s4;
	s6 =	sadd.s32 s6, s4  }
0xd: {  	s8 =	ssub.s32 s5, s8;
	s4 =	sadd.s32 $0x1E00, s7;
	s5 =	sadd.s32 $0x1A8800, s6  }
0xe: {  	s6 =	smax.u32 s8, $0x1;
	s7 =	simm.s32 $0x5;
	s8 =	simm.s32 $0x64  }
.LBB2_8:
0xf: {  	s21 =	sadd.s32 $0x1, s21  }
0x10: {  	p0 =	sne.s32 s21, s6  }
.Ltmp1:
0x11: {  	_ = 	snop;
	(pc) =	sbr.rel @!p0 .LBB2_9-.Ltmp1, $4  }
0x12: {  	[hbm4b:s5+s2] =	stream.linear.scatter [tilespmem:s20], [sflag:$0x5], $0x4000, $0x38;
	[tilespmem:$0x19000] =	vst v63  }
0x13: {  	_ =	swait.ge [sflag:s7], $0x4000  }
0x14: {  	[sflag:s7] =	ssyncset.done $0x0  }
0x15: {  	[sflag:s7] =	ssyncadd.s32 $0xFFFFC000  }
.LBB2_1:
0x16: {  	[tilespmem:s2], [sflag:$0x5] =	stream.linear.gather [hbm4b:s4+s2], $0x8000, $0x38;
	[tilespmem:$0x19000] =	vst v63  }
0x17: {  	_ =	swait.ge [sflag:s7], $0x8000  }
0x18: {  	[sflag:s7] =	ssyncset.done $0x0  }
0x19: {  	[sflag:s7] =	ssyncadd.s32 $0xFFFF8000  }
0x1a: {  	[tilespmem:s9], [sflag:$0x1] =	stream.indirect.gather [hbm4b:s3+s8], $0x80, s2, s8, $0xb8;
	[tilespmem:$0x19000] =	vst v63  }
0x1b: {  	_ = 	snop  }
0x1c: {  	[tilespmem:s11], [sflag:$0x2] =	stream.indirect.gather [hbm4b:s3+s8], $0x80, s10, s8, $0xb8;
	[tilespmem:$0x19000] =	vst v63  }
0x1d: {  	_ = 	snop  }
0x1e: {  	[tilespmem:s13], [sflag:$0x3] =	stream.indirect.gather [hbm4b:s3+s8], $0x80, s12, s8, $0xb8;
	[tilespmem:$0x19000] =	vst v63  }
0x1f: {  	s22 =	simm.s32 $0x0  }
0x20: {  	[tilespmem:s15], [sflag:$0x4] =	stream.indirect.gather [hbm4b:s3+s8], $0x80, s14, s8, $0xb8;
	[tilespmem:$0x19000] =	vst v63  }
.LBB2_2:
0x21: {  	_ =	swait.ge [sflag:s16], $0x3200  }
0x22: {  	[sflag:s16] =	ssyncset.done $0x0  }
0x23: {  	[sflag:s16] =	ssyncadd.s32 $0xFFFFCE00  }
0x24: {  	_ =	swait.ge [sflag:s17], $0x3200  }
0x25: {  	[sflag:s17] =	ssyncset.done $0x0  }
0x26: {  	s24 =	simm.s32 $0xB670;
	[sflag:s17] =	ssyncadd.s32 $0xFFFFCE00  }
0x27: {  	v4 =	vld [tilespmem:s24+$0xFFFFFF90]  }
0x28: {  	v5 =	vld [tilespmem:s24+$0xFFFFFFA0]  }
0x29: {  	v10 =	vld [tilespmem:s24+$0xFFFFFFB0]  }
0x2a: {  	v11 =	vld [tilespmem:s24+$0xFFFFFFC0]  }
0x2b: {  	v0 =	vld [tilespmem:s24+$0xFFFFFFD0]  }
0x2c: {  	v1 =	vld [tilespmem:s24+$0xFFFFFFE0]  }
0x2d: {  	v6 =	vld [tilespmem:s24+$0xFFFFCB90]  }
0x2e: {  	v7 =	vld [tilespmem:s24+$0xFFFFCBA0]  }
0x2f: {  	v12 =	vld [tilespmem:s24+$0xFFFFCBB0]  }
0x30: {  	v13 =	vld [tilespmem:s24+$0xFFFFCBC0]  }
0x31: {  	v3 =	vld [tilespmem:s24+$0xFFFFCBD0]  }
0x32: {  	v2 =	vld [tilespmem:s24+$0xFFFFCBE0]  }
0x33: {  	v14 =	vld [tilespmem:s24+$0xFFFFFF10]  }
0x34: {  	v15 =	vld [tilespmem:s24+$0xFFFFFF20]  }
0x35: {  	v16 =	vld [tilespmem:s24+$0xFFFFFF30]  }
0x36: {  	v17 =	vld [tilespmem:s24+$0xFFFFFF40]  }
0x37: {  	v8 =	vld [tilespmem:s24+$0xFFFFFF50]  }
0x38: {  	v9 =	vld [tilespmem:s24+$0xFFFFFF60]  }
0x39: {  	v18 =	vld [tilespmem:s24+$0xFFFFCB10]  }
0x3a: {  	v19 =	vld [tilespmem:s24+$0xFFFFCB20]  }
0x3b: {  	v20 =	vld [tilespmem:s24+$0xFFFFCB30]  }
0x3c: {  	v21 =	vld [tilespmem:s24+$0xFFFFCB40]  }
0x3d: {  	v22 =	vld [tilespmem:s24+$0xFFFFCB50]  }
0x3e: {  	v23 =	vld [tilespmem:s24+$0xFFFFCB60]  }
0x3f: {  	v24 =	vld [tilespmem:s24+$0xFFFFFE90]  }
0x40: {  	v25 =	vld [tilespmem:s24+$0xFFFFFEA0]  }
0x41: {  	v26 =	vld [tilespmem:s24+$0xFFFFFEB0]  }
0x42: {  	v27 =	vld [tilespmem:s24+$0xFFFFFEC0]  }
0x43: {  	v28 =	vld [tilespmem:s24+$0xFFFFFED0]  }
0x44: {  	v29 =	vld [tilespmem:s24+$0xFFFFFEE0]  }
0x45: {  	v30 =	vld [tilespmem:s24+$0xFFFFCA90]  }
0x46: {  	v31 =	vld [tilespmem:s24+$0xFFFFCAA0]  }
0x47: {  	v32 =	vld [tilespmem:s24+$0xFFFFFE10]  }
0x48: {  	v33 =	vld [tilespmem:s24+$0xFFFFFE20]  }
0x49: {  	v34 =	vld [tilespmem:s24+$0xFFFFCA10]  }
0x4a: {  	v35 =	vld [tilespmem:s24+$0xFFFFCA20]  }
0x4b: {  	v36 =	vld [tilespmem:s24+$0xFFFFFD90]  }
0x4c: {  	v37 =	vld [tilespmem:s24+$0xFFFFFDA0]  }
0x4d: {  	v38 =	vld [tilespmem:s24+$0xFFFFC990]  }
0x4e: {  	v39 =	vld [tilespmem:s24+$0xFFFFC9A0]  }
0x4f: {  	v40 =	vld [tilespmem:s24+$0xFFFFC9B0]  }
0x50: {  	v41 =	vld [tilespmem:s24+$0xFFFFC9C0]  }
0x51: {  	v42 =	vld [tilespmem:s24+$0xFFFFFDB0]  }
0x52: {  	v43 =	vld [tilespmem:s24+$0xFFFFFDC0]  }
0x53: {  	v44 =	vimm.f32 $0.0e+00;
	v45 =	vld [tilespmem:s24+$0xFFFFCA30]  }
0x54: {  	v46 =	vld [tilespmem:s24+$0xFFFFCA40];
	v38 =	vadd.f32 v38, v44;
	v39 =	vadd.f32 v39, v44  }
0x55: {  	v47 =	vld [tilespmem:s24+$0xFFFFFE30];
	v40 =	vadd.f32 v40, v44;
	v41 =	vadd.f32 v41, v44  }
0x56: {  	v59 =	vld [tilespmem:s24+$0xFFFFFE40];
	v36 =	vadd.f32 v36, v38;
	v37 =	vadd.f32 v37, v39  }
0x57: {  	v62 =	vld [tilespmem:s24+$0xFFFFCAB0];
	v60 =	vadd.f32 v42, v40;
	v61 =	vadd.f32 v43, v41  }
0x58: {  	v63 =	vld [tilespmem:s24+$0xFFFFCAC0];
	v34 =	vadd.f32 v34, v36;
	v35 =	vadd.f32 v35, v37  }
0x59: {  	v49 =	vld [tilespmem:s24+$0xFFFFCAD0];
	v45 =	vadd.f32 v45, v60;
	v48 =	vadd.f32 v46, v61  }
0x5a: {  	v50 =	vld [tilespmem:s24+$0xFFFFCAE0];
	v32 =	vadd.f32 v32, v34;
	v33 =	vadd.f32 v33, v35  }
0x5b: {  	v53 =	vld [tilespmem:s24+$0xFFFFFE50];
	v51 =	vadd.f32 v47, v45;
	v52 =	vadd.f32 v59, v48  }
0x5c: {  	v54 =	vld [tilespmem:s24+$0xFFFFFE60];
	v30 =	vadd.f32 v30, v32;
	v31 =	vadd.f32 v31, v33  }
0x5d: {  	v55 =	vld [tilespmem:s24+$0xFFFFCA50];
	v56 =	vadd.f32 v62, v51;
	v57 =	vadd.f32 v63, v52  }
0x5e: {  	v58 =	vld [tilespmem:s24+$0xFFFFCA60];
	v24 =	vadd.f32 v24, v30;
	v25 =	vadd.f32 v25, v31  }
0x5f: {  	v60 =	vld [tilespmem:s24+$0xFFFFFDE0];
	v26 =	vadd.f32 v26, v56;
	v27 =	vadd.f32 v27, v57  }
0x60: {  	v61 =	vld [tilespmem:s24+$0xFFFFC9D0];
	v18 =	vadd.f32 v18, v24;
	v19 =	vadd.f32 v19, v25  }
0x61: {  	v59 =	vld [tilespmem:s24+$0xFFFFFDD0];
	v20 =	vadd.f32 v20, v26;
	v21 =	vadd.f32 v21, v27  }
0x62: {  	v62 =	vld [tilespmem:s24+$0xFFFFC9E0];
	v14 =	vadd.f32 v14, v18;
	v15 =	vadd.f32 v15, v19  }
0x63: {  	v18 =	vld [tilespmem:s24+$0xFFFFC9F0];
	v16 =	vadd.f32 v16, v20;
	v17 =	vadd.f32 v17, v21  }
0x64: {  	v19 =	vld [tilespmem:s24+$0xFFFFCA00];
	v6 =	vadd.f32 v6, v14;
	v14 =	vadd.f32 v7, v15  }
0x65: {  	v15 =	vld [tilespmem:s24+$0xFFFFFDF0];
	v12 =	vadd.f32 v12, v16;
	v13 =	vadd.f32 v13, v17  }
0x66: {  	v16 =	vld [tilespmem:s24+$0xFFFFFE00];
	v7 =	vadd.f32 v4, v6;
	v6 =	vadd.f32 v5, v14  }
0x67: {  	v14 =	vld [tilespmem:s24+$0xFFFFCA70];
	v5 =	vadd.f32 v10, v12;
	v4 =	vadd.f32 v11, v13  }
0x68: {  	v10 =	vadd.f32 v61, v44;
	v11 =	vadd.f32 v62, v44;
	v12 =	vld [tilespmem:s24+$0xFFFFCA80]  }
0x69: {  	v13 =	vadd.f32 v18, v44;
	v17 =	vadd.f32 v19, v44;
	v18 =	vld [tilespmem:s24+$0xFFFFFE70]  }
0x6a: {  	v19 =	vld [tilespmem:s24+$0xFFFFFE80];
	v10 =	vadd.f32 v59, v10;
	v11 =	vadd.f32 v60, v11  }
0x6b: {  	v13 =	vadd.f32 v15, v13;
	v15 =	vadd.f32 v16, v17;
	v16 =	vld [tilespmem:s24+$0xFFFFCAF0]  }
0x6c: {  	v17 =	vld [tilespmem:s24+$0xFFFFCB00];
	v10 =	vadd.f32 v55, v10;
	v11 =	vadd.f32 v58, v11  }
0x6d: {  	v20 =	vld [tilespmem:s24+$0xFFFFFF00];
	v13 =	vadd.f32 v14, v13;
	v12 =	vadd.f32 v12, v15  }
0x6e: {  	v15 =	vld [tilespmem:s24+$0xFFFFFEF0];
	v10 =	vadd.f32 v53, v10;
	v11 =	vadd.f32 v54, v11  }
0x6f: {  	v13 =	vadd.f32 v18, v13;
	v12 =	vadd.f32 v19, v12;
	v18 =	vld [tilespmem:s24+$0xFFFFCB70]  }
0x70: {  	v19 =	vld [tilespmem:s24+$0xFFFFCB80];
	v10 =	vadd.f32 v49, v10;
	v11 =	vadd.f32 v50, v11  }
0x71: {  	v14 =	vld [tilespmem:s24+$0xFFFFFF80];
	v16 =	vadd.f32 v16, v13;
	v12 =	vadd.f32 v17, v12  }
0x72: {  	v13 =	vld [tilespmem:s24+$0xFFFFFF70];
	v10 =	vadd.f32 v28, v10;
	v11 =	vadd.f32 v29, v11  }
0x73: {  	v16 =	vadd.f32 v15, v16;
	v12 =	vadd.f32 v20, v12;
	v15 =	vld [tilespmem:s24+$0xFFFFCBF0]  }
0x74: {  	v20 =	vadd.f32 v22, v10;
	v63 =	vadd.f32 v23, v11;
	v11 =	vld [tilespmem:s24+$0xFFFFCC00]  }
0x75: {  	v10 =	vld [tilespmem:s24+$0xFFFFFFF0];
	v17 =	vadd.f32 v18, v16;
	v16 =	vadd.f32 v19, v12  }
0x76: {  	s23 =	simm.s32 $0x0;
	v18 =	vadd.f32 v8, v20;
	v9 =	vadd.f32 v9, v63;
	v8 =	vld [tilespmem:s24+$0x0];
	s24 =	simm.s32 $0xB8F0  }
.LBB2_3:
0x77: {  	v12 =	vld [tilespmem:s24+$0xFFFFFF90];
	v17 =	vadd.f32 v13, v17;
	v16 =	vadd.f32 v14, v16  }
0x78: {  	v13 =	vld [tilespmem:s24+$0xFFFFFFA0];
	v3 =	vadd.f32 v3, v18;
	v2 =	vadd.f32 v2, v9  }
0x79: {  	v14 =	vld [tilespmem:s24+$0xFFFFFFB0];
	v9 =	vadd.f32 v15, v17;
	v11 =	vadd.f32 v11, v16  }
0x7a: {  	v19 =	vld [tilespmem:s24+$0xFFFFFFC0];
	v15 =	vadd.f32 v0, v3;
	v16 =	vadd.f32 v1, v2  }
0x7b: {  	v0 =	vld [tilespmem:s24+$0xFFFFFFD0];
	v17 =	vadd.f32 v10, v9;
	v18 =	vadd.f32 v8, v11  }
0x7c: {  	v1 =	vld [tilespmem:s24+$0xFFFFFFE0]  }
0x7d: {  	v23 =	vld [tilespmem:s24+$0xFFFFCB90]  }
0x7e: {  	v25 =	vld [tilespmem:s24+$0xFFFFCBA0]  }
0x7f: {  	v22 =	vld [tilespmem:s24+$0xFFFFCBB0]  }
0x80: {  	v24 =	vld [tilespmem:s24+$0xFFFFCBC0]  }
0x81: {  	v3 =	vld [tilespmem:s24+$0xFFFFCBD0]  }
0x82: {  	v2 =	vld [tilespmem:s24+$0xFFFFCBE0]  }
0x83: {  	v26 =	vld [tilespmem:s24+$0xFFFFFF10]  }
0x84: {  	v27 =	vld [tilespmem:s24+$0xFFFFFF20]  }
0x85: {  	v28 =	vld [tilespmem:s24+$0xFFFFFF30]  }
0x86: {  	v29 =	vld [tilespmem:s24+$0xFFFFFF40]  }
0x87: {  	v8 =	vld [tilespmem:s24+$0xFFFFFF50]  }
0x88: {  	v9 =	vld [tilespmem:s24+$0xFFFFFF60]  }
0x89: {  	v30 =	vld [tilespmem:s24+$0xFFFFCB10]  }
0x8a: {  	v31 =	vld [tilespmem:s24+$0xFFFFCB20]  }
0x8b: {  	v32 =	vld [tilespmem:s24+$0xFFFFCB30]  }
0x8c: {  	v33 =	vld [tilespmem:s24+$0xFFFFCB40]  }
0x8d: {  	v10 =	vld [tilespmem:s24+$0xFFFFCB50]  }
0x8e: {  	v11 =	vld [tilespmem:s24+$0xFFFFCB60]  }
0x8f: {  	v34 =	vld [tilespmem:s24+$0xFFFFFE90]  }
0x90: {  	v35 =	vld [tilespmem:s24+$0xFFFFFEA0]  }
0x91: {  	v36 =	vld [tilespmem:s24+$0xFFFFFEB0]  }
0x92: {  	v37 =	vld [tilespmem:s24+$0xFFFFFEC0]  }
0x93: {  	v20 =	vld [tilespmem:s24+$0xFFFFFED0]  }
0x94: {  	v21 =	vld [tilespmem:s24+$0xFFFFFEE0]  }
0x95: {  	v38 =	vld [tilespmem:s24+$0xFFFFCA90]  }
0x96: {  	v39 =	vld [tilespmem:s24+$0xFFFFCAA0]  }
0x97: {  	v40 =	vld [tilespmem:s24+$0xFFFFFE10]  }
0x98: {  	v41 =	vld [tilespmem:s24+$0xFFFFFE20]  }
0x99: {  	v42 =	vld [tilespmem:s24+$0xFFFFCA10]  }
0x9a: {  	v43 =	vld [tilespmem:s24+$0xFFFFCA20]  }
0x9b: {  	v44 =	vld [tilespmem:s24+$0xFFFFFD90]  }
0x9c: {  	v45 =	vld [tilespmem:s24+$0xFFFFFDA0]  }
0x9d: {  	v46 =	vld [tilespmem:s24+$0xFFFFC990]  }
0x9e: {  	v47 =	vld [tilespmem:s24+$0xFFFFC9A0]  }
0x9f: {  	v48 =	vld [tilespmem:s24+$0xFFFFC9B0]  }
0xa0: {  	v49 =	vld [tilespmem:s24+$0xFFFFC9C0]  }
0xa1: {  	v50 =	vld [tilespmem:s24+$0xFFFFFDB0]  }
0xa2: {  	v51 =	vld [tilespmem:s24+$0xFFFFFDC0]  }
0xa3: {  	v52 =	vld [tilespmem:s24+$0xFFFFCA30]  }
0xa4: {  	v7 =	vadd.f32 v46, v7;
	v6 =	vadd.f32 v47, v6;
	v46 =	vld [tilespmem:s24+$0xFFFFCA40]  }
0xa5: {  	v5 =	vadd.f32 v48, v5;
	v4 =	vadd.f32 v49, v4;
	v47 =	vld [tilespmem:s24+$0xFFFFFE30]  }
0xa6: {  	v7 =	vadd.f32 v44, v7;
	v6 =	vadd.f32 v45, v6;
	v44 =	vld [tilespmem:s24+$0xFFFFFE40]  }
0xa7: {  	v5 =	vadd.f32 v50, v5;
	v4 =	vadd.f32 v51, v4;
	v45 =	vld [tilespmem:s24+$0xFFFFCAB0]  }
0xa8: {  	v7 =	vadd.f32 v42, v7;
	v6 =	vadd.f32 v43, v6;
	v42 =	vld [tilespmem:s24+$0xFFFFCAC0]  }
0xa9: {  	v5 =	vadd.f32 v52, v5;
	v4 =	vadd.f32 v46, v4;
	v43 =	vld [tilespmem:s24+$0xFFFFCAD0]  }
0xaa: {  	v7 =	vadd.f32 v40, v7;
	v6 =	vadd.f32 v41, v6;
	v40 =	vld [tilespmem:s24+$0xFFFFCAE0]  }
0xab: {  	v5 =	vadd.f32 v47, v5;
	v4 =	vadd.f32 v44, v4;
	v41 =	vld [tilespmem:s24+$0xFFFFFE50]  }
0xac: {  	v7 =	vadd.f32 v38, v7;
	v6 =	vadd.f32 v39, v6;
	v44 =	vld [tilespmem:s24+$0xFFFFFE60]  }
0xad: {  	v5 =	vadd.f32 v45, v5;
	v38 =	vld [tilespmem:s24+$0xFFFFCA50];
	v4 =	vadd.f32 v42, v4  }
0xae: {  	v7 =	vadd.f32 v34, v7;
	v6 =	vadd.f32 v35, v6;
	v39 =	vld [tilespmem:s24+$0xFFFFCA60]  }
0xaf: {  	v5 =	vadd.f32 v36, v5;
	v34 =	vld [tilespmem:s24+$0xFFFFFDD0];
	v4 =	vadd.f32 v37, v4  }
0xb0: {  	v7 =	vadd.f32 v30, v7;
	v6 =	vadd.f32 v31, v6;
	v35 =	vld [tilespmem:s24+$0xFFFFFDE0]  }
0xb1: {  	v5 =	vadd.f32 v32, v5;
	v30 =	vld [tilespmem:s24+$0xFFFFC9D0];
	v4 =	vadd.f32 v33, v4  }
0xb2: {  	v7 =	vadd.f32 v26, v7;
	v6 =	vadd.f32 v27, v6;
	v31 =	vld [tilespmem:s24+$0xFFFFC9E0]  }
0xb3: {  	v5 =	vadd.f32 v28, v5;
	v26 =	vld [tilespmem:s24+$0xFFFFC9F0];
	v4 =	vadd.f32 v29, v4  }
0xb4: {  	s23 =	sadd.s32 $0x5, s23;
	v7 =	vadd.f32 v23, v7;
	v6 =	vadd.f32 v25, v6;
	v27 =	vld [tilespmem:s24+$0xFFFFCA00]  }
0xb5: {  	p0 =	slt.u32 s23, $0x5F;
	v5 =	vadd.f32 v22, v5;
	v23 =	vld [tilespmem:s24+$0xFFFFFDF0];
	v4 =	vadd.f32 v24, v4  }
0xb6: {  	v7 =	vadd.f32 v12, v7;
	v6 =	vadd.f32 v13, v6;
	v22 =	vld [tilespmem:s24+$0xFFFFFE00]  }
0xb7: {  	v5 =	vadd.f32 v14, v5;
	v12 =	vld [tilespmem:s24+$0xFFFFCA70];
	v4 =	vadd.f32 v19, v4  }
0xb8: {  	v13 =	vadd.f32 v30, v15;
	v14 =	vadd.f32 v31, v16;
	v15 =	vld [tilespmem:s24+$0xFFFFCA80]  }
0xb9: {  	v16 =	vadd.f32 v26, v17;
	v17 =	vadd.f32 v27, v18;
	v18 =	vld [tilespmem:s24+$0xFFFFFE70]  }
0xba: {  	v13 =	vadd.f32 v34, v13;
	v14 =	vadd.f32 v35, v14;
	v19 =	vld [tilespmem:s24+$0xFFFFFE80]  }
0xbb: {  	v16 =	vadd.f32 v23, v16;
	v17 =	vadd.f32 v22, v17;
	v22 =	vld [tilespmem:s24+$0xFFFFCAF0]  }
0xbc: {  	v13 =	vadd.f32 v38, v13;
	v14 =	vadd.f32 v39, v14;
	v23 =	vld [tilespmem:s24+$0xFFFFCB00]  }
0xbd: {  	v12 =	vadd.f32 v12, v16;
	v15 =	vadd.f32 v15, v17;
	v16 =	vld [tilespmem:s24+$0xFFFFFEF0]  }
0xbe: {  	v13 =	vadd.f32 v41, v13;
	v14 =	vadd.f32 v44, v14;
	v17 =	vld [tilespmem:s24+$0xFFFFFF00]  }
0xbf: {  	v12 =	vadd.f32 v18, v12;
	v15 =	vadd.f32 v19, v15;
	v18 =	vld [tilespmem:s24+$0xFFFFCB70]  }
0xc0: {  	v19 =	vadd.f32 v43, v13;
	v14 =	vadd.f32 v40, v14;
	v24 =	vld [tilespmem:s24+$0xFFFFCB80]  }
0xc1: {  	v12 =	vadd.f32 v22, v12;
	v15 =	vadd.f32 v23, v15;
	v13 =	vld [tilespmem:s24+$0xFFFFFF70]  }
.Ltmp2:
0xc2: {  	v19 =	vadd.f32 v20, v19;
	v20 =	vadd.f32 v21, v14;
	v14 =	vld [tilespmem:s24+$0xFFFFFF80];
	(pc) =	sbr.rel @p0 .LBB2_3-.Ltmp2, $4  }
0xc3: {  	v12 =	vadd.f32 v16, v12;
	v16 =	vadd.f32 v17, v15;
	v15 =	vld [tilespmem:s24+$0xFFFFCBF0]  }
0xc4: {  	v19 =	vadd.f32 v10, v19;
	v20 =	vadd.f32 v11, v20;
	v11 =	vld [tilespmem:s24+$0xFFFFCC00]  }
0xc5: {  	v17 =	vadd.f32 v18, v12;
	v16 =	vadd.f32 v24, v16;
	v10 =	vld [tilespmem:s24+$0xFFFFFFF0]  }
0xc6: {  	v18 =	vadd.f32 v8, v19;
	v9 =	vadd.f32 v9, v20;
	v8 =	vld [tilespmem:s24+$0x0];
	s24 =	sadd.s32 $0x280, s24  }
0xc7: {  	s23 =	sshll.u32 s22, $0x8  }
0xc8: {  	s23 =	sand.u32 $0x3FFFFF00, s23  }
0xc9: {  	v12 =	vadd.f32 v13, v17;
	v3 =	vadd.f32 v3, v18;
	[tilespmem:s23+$0x15000] =	vst v7  }
0xca: {  	v2 =	vadd.f32 v2, v9;
	v7 =	vadd.f32 v14, v16;
	[tilespmem:s23+$0x15010] =	vst v6  }
0xcb: {  	v6 =	vadd.f32 v15, v12;
	[tilespmem:s23+$0x15020] =	vst v5;
	v0 =	vadd.f32 v0, v3  }
0xcc: {  	[tilespmem:s23+$0x15030] =	vst v4;
	v1 =	vadd.f32 v1, v2;
	v3 =	vadd.f32 v11, v7  }
0xcd: {  	v2 =	vadd.f32 v10, v6;
	[tilespmem:s23+$0x15040] =	vst v0  }
0xce: {  	[tilespmem:s23+$0x15050] =	vst v1;
	v0 =	vadd.f32 v8, v3  }
0xcf: {  	s24 =	sshll.u32 s22, $0x9;
	p0 =	seq.s32 s22, $0x3F;
	[tilespmem:s23+$0x15060] =	vst v2  }
0xd0: {  	s25 =	sadd.s32 @!p0 $0x200, s24;
	s26 =	simm.s32 @!p0 $0x64;
	s28 =	simm.s32 @!p0 $0x8000;
	[tilespmem:s23+$0x15070] =	vst v0  }
0xd1: {  	[tilespmem:s28], [sflag:$0x1] =	stream.indirect.gather @!p0 [hbm4b:s3+s26], $0x80, s25, s26, $0xb8;
	[tilespmem:$0x19000] =	vst v63  }
0xd2: {  	s25 =	sadd.s32 @!p0 $0x280, s24;
	s28 =	simm.s32 @!p0 $0xB400  }
0xd3: {  	[tilespmem:s28], [sflag:$0x2] =	stream.indirect.gather @!p0 [hbm4b:s3+s26], $0x80, s25, s26, $0xb8;
	[tilespmem:$0x19000] =	vst v63  }
0xd4: {  	_ =	swait.ge [sflag:s18], $0x3200  }
0xd5: {  	[sflag:s18] =	ssyncset.done $0x0  }
0xd6: {  	[sflag:s18] =	ssyncadd.s32 $0xFFFFCE00  }
0xd7: {  	_ =	swait.ge [sflag:s19], $0x3200  }
0xd8: {  	[sflag:s19] =	ssyncset.done $0x0  }
0xd9: {  	s31 =	simm.s32 $0xE800;
	[sflag:s19] =	ssyncadd.s32 $0xFFFFCE00  }
0xda: {  	v4 =	vld [tilespmem:s31+$0x3600]  }
0xdb: {  	v5 =	vld [tilespmem:s31+$0x3610]  }
0xdc: {  	v10 =	vld [tilespmem:s31+$0x3620]  }
0xdd: {  	v11 =	vld [tilespmem:s31+$0x3630]  }
0xde: {  	v0 =	vld [tilespmem:s31+$0x3640]  }
0xdf: {  	v1 =	vld [tilespmem:s31+$0x3650]  }
0xe0: {  	v6 =	vld [tilespmem:s31+$0x200]  }
0xe1: {  	v7 =	vld [tilespmem:s31+$0x210]  }
0xe2: {  	v12 =	vld [tilespmem:s31+$0x220]  }
0xe3: {  	v13 =	vld [tilespmem:s31+$0x230]  }
0xe4: {  	v3 =	vld [tilespmem:s31+$0x240]  }
0xe5: {  	v2 =	vld [tilespmem:s31+$0x250]  }
0xe6: {  	v14 =	vld [tilespmem:s31+$0x3580]  }
0xe7: {  	v15 =	vld [tilespmem:s31+$0x3590]  }
0xe8: {  	v16 =	vld [tilespmem:s31+$0x35A0]  }
0xe9: {  	v17 =	vld [tilespmem:s31+$0x35B0]  }
0xea: {  	v8 =	vld [tilespmem:s31+$0x35C0]  }
0xeb: {  	v9 =	vld [tilespmem:s31+$0x35D0]  }
0xec: {  	v18 =	vld [tilespmem:s31+$0x180]  }
0xed: {  	v19 =	vld [tilespmem:s31+$0x190]  }
0xee: {  	v20 =	vld [tilespmem:s31+$0x1A0]  }
0xef: {  	v21 =	vld [tilespmem:s31+$0x1B0]  }
0xf0: {  	v22 =	vld [tilespmem:s31+$0x1C0]  }
0xf1: {  	v23 =	vld [tilespmem:s31+$0x1D0]  }
0xf2: {  	v24 =	vld [tilespmem:s31+$0x3500]  }
0xf3: {  	v25 =	vld [tilespmem:s31+$0x3510]  }
0xf4: {  	v26 =	vld [tilespmem:s31+$0x3520]  }
0xf5: {  	v27 =	vld [tilespmem:s31+$0x3530]  }
0xf6: {  	v28 =	vld [tilespmem:s31+$0x3540]  }
0xf7: {  	v29 =	vld [tilespmem:s31+$0x3550]  }
0xf8: {  	v30 =	vld [tilespmem:s31+$0x100]  }
0xf9: {  	v31 =	vld [tilespmem:s31+$0x110]  }
0xfa: {  	v32 =	vld [tilespmem:s31+$0x3480]  }
0xfb: {  	v33 =	vld [tilespmem:s31+$0x3490]  }
0xfc: {  	v34 =	vld [tilespmem:s31+$0x80]  }
0xfd: {  	v35 =	vld [tilespmem:s31+$0x90]  }
0xfe: {  	v36 =	vld [tilespmem:s31+$0x3400]  }
0xff: {  	v37 =	vld [tilespmem:s31+$0x3410]  }
0x100: {  	v38 =	vld [tilespmem:s31+$0x0]  }
0x101: {  	v39 =	vld [tilespmem:s31+$0x10]  }
0x102: {  	v40 =	vld [tilespmem:s31+$0x20]  }
0x103: {  	v41 =	vld [tilespmem:s31+$0x30]  }
0x104: {  	v42 =	vld [tilespmem:s31+$0x3420]  }
0x105: {  	v43 =	vld [tilespmem:s31+$0x3430]  }
0x106: {  	v44 =	vimm.f32 $0.0e+00;
	v45 =	vld [tilespmem:s31+$0xA0]  }
0x107: {  	v46 =	vld [tilespmem:s31+$0xB0];
	v38 =	vadd.f32 v38, v44;
	v39 =	vadd.f32 v39, v44  }
0x108: {  	v47 =	vld [tilespmem:s31+$0x34A0];
	v40 =	vadd.f32 v40, v44;
	v41 =	vadd.f32 v41, v44  }
0x109: {  	v59 =	vld [tilespmem:s31+$0x34B0];
	v36 =	vadd.f32 v36, v38;
	v37 =	vadd.f32 v37, v39  }
0x10a: {  	v62 =	vld [tilespmem:s31+$0x120];
	v60 =	vadd.f32 v42, v40;
	v61 =	vadd.f32 v43, v41  }
0x10b: {  	v63 =	vld [tilespmem:s31+$0x130];
	v34 =	vadd.f32 v34, v36;
	v35 =	vadd.f32 v35, v37  }
0x10c: {  	v49 =	vld [tilespmem:s31+$0x140];
	v45 =	vadd.f32 v45, v60;
	v48 =	vadd.f32 v46, v61  }
0x10d: {  	v50 =	vld [tilespmem:s31+$0x150];
	v32 =	vadd.f32 v32, v34;
	v33 =	vadd.f32 v33, v35  }
0x10e: {  	v53 =	vld [tilespmem:s31+$0x34C0];
	v51 =	vadd.f32 v47, v45;
	v52 =	vadd.f32 v59, v48  }
0x10f: {  	v54 =	vld [tilespmem:s31+$0x34D0];
	v30 =	vadd.f32 v30, v32;
	v31 =	vadd.f32 v31, v33  }
0x110: {  	v55 =	vld [tilespmem:s31+$0xC0];
	v56 =	vadd.f32 v62, v51;
	v57 =	vadd.f32 v63, v52  }
0x111: {  	v58 =	vld [tilespmem:s31+$0xD0];
	v24 =	vadd.f32 v24, v30;
	v25 =	vadd.f32 v25, v31  }
0x112: {  	v60 =	vld [tilespmem:s31+$0x3450];
	v26 =	vadd.f32 v26, v56;
	v27 =	vadd.f32 v27, v57  }
0x113: {  	v61 =	vld [tilespmem:s31+$0x40];
	v18 =	vadd.f32 v18, v24;
	v19 =	vadd.f32 v19, v25  }
0x114: {  	v59 =	vld [tilespmem:s31+$0x3440];
	v20 =	vadd.f32 v20, v26;
	v21 =	vadd.f32 v21, v27  }
0x115: {  	v62 =	vld [tilespmem:s31+$0x50];
	v14 =	vadd.f32 v14, v18;
	v15 =	vadd.f32 v15, v19  }
0x116: {  	v18 =	vld [tilespmem:s31+$0x60];
	v16 =	vadd.f32 v16, v20;
	v17 =	vadd.f32 v17, v21  }
0x117: {  	v19 =	vld [tilespmem:s31+$0x70];
	v6 =	vadd.f32 v6, v14;
	v14 =	vadd.f32 v7, v15  }
0x118: {  	v15 =	vld [tilespmem:s31+$0x3460];
	v12 =	vadd.f32 v12, v16;
	v13 =	vadd.f32 v13, v17  }
0x119: {  	v16 =	vld [tilespmem:s31+$0x3470];
	v7 =	vadd.f32 v4, v6;
	v6 =	vadd.f32 v5, v14  }
0x11a: {  	v14 =	vld [tilespmem:s31+$0xE0];
	v5 =	vadd.f32 v10, v12;
	v4 =	vadd.f32 v11, v13  }
0x11b: {  	v10 =	vadd.f32 v61, v44;
	v11 =	vadd.f32 v62, v44;
	v12 =	vld [tilespmem:s31+$0xF0]  }
0x11c: {  	v13 =	vadd.f32 v18, v44;
	v17 =	vadd.f32 v19, v44;
	v18 =	vld [tilespmem:s31+$0x34E0]  }
0x11d: {  	v19 =	vld [tilespmem:s31+$0x34F0];
	v10 =	vadd.f32 v59, v10;
	v11 =	vadd.f32 v60, v11  }
0x11e: {  	v13 =	vadd.f32 v15, v13;
	v15 =	vadd.f32 v16, v17;
	v16 =	vld [tilespmem:s31+$0x160]  }
0x11f: {  	v17 =	vld [tilespmem:s31+$0x170];
	v10 =	vadd.f32 v55, v10;
	v11 =	vadd.f32 v58, v11  }
0x120: {  	v20 =	vld [tilespmem:s31+$0x3570];
	v13 =	vadd.f32 v14, v13;
	v12 =	vadd.f32 v12, v15  }
0x121: {  	v15 =	vld [tilespmem:s31+$0x3560];
	v10 =	vadd.f32 v53, v10;
	v11 =	vadd.f32 v54, v11  }
0x122: {  	v13 =	vadd.f32 v18, v13;
	v12 =	vadd.f32 v19, v12;
	v18 =	vld [tilespmem:s31+$0x1E0]  }
0x123: {  	v19 =	vld [tilespmem:s31+$0x1F0];
	v10 =	vadd.f32 v49, v10;
	v11 =	vadd.f32 v50, v11  }
0x124: {  	v14 =	vld [tilespmem:s31+$0x35F0];
	v16 =	vadd.f32 v16, v13;
	v12 =	vadd.f32 v17, v12  }
0x125: {  	v13 =	vld [tilespmem:s31+$0x35E0];
	v10 =	vadd.f32 v28, v10;
	v11 =	vadd.f32 v29, v11  }
0x126: {  	v16 =	vadd.f32 v15, v16;
	v12 =	vadd.f32 v20, v12;
	v15 =	vld [tilespmem:s31+$0x260]  }
0x127: {  	v20 =	vadd.f32 v22, v10;
	v63 =	vadd.f32 v23, v11;
	v11 =	vld [tilespmem:s31+$0x270]  }
0x128: {  	v10 =	vld [tilespmem:s31+$0x3660];
	v17 =	vadd.f32 v18, v16;
	v16 =	vadd.f32 v19, v12  }
0x129: {  	s25 =	simm.s32 $0x0;
	s26 =	simm.s32 $0xEA80;
	v18 =	vadd.f32 v8, v20;
	v9 =	vadd.f32 v9, v63;
	v8 =	vld [tilespmem:s31+$0x3670]  }
.LBB2_5:
0x12a: {  	v12 =	vld [tilespmem:s26+$0x3600];
	v17 =	vadd.f32 v13, v17;
	v16 =	vadd.f32 v14, v16  }
0x12b: {  	v13 =	vld [tilespmem:s26+$0x3610];
	v3 =	vadd.f32 v3, v18;
	v2 =	vadd.f32 v2, v9  }
0x12c: {  	v14 =	vld [tilespmem:s26+$0x3620];
	v9 =	vadd.f32 v15, v17;
	v11 =	vadd.f32 v11, v16  }
0x12d: {  	v19 =	vld [tilespmem:s26+$0x3630];
	v15 =	vadd.f32 v0, v3;
	v16 =	vadd.f32 v1, v2  }
0x12e: {  	v0 =	vld [tilespmem:s26+$0x3640];
	v17 =	vadd.f32 v10, v9;
	v18 =	vadd.f32 v8, v11  }
0x12f: {  	v1 =	vld [tilespmem:s26+$0x3650]  }
0x130: {  	v23 =	vld [tilespmem:s26+$0x200]  }
0x131: {  	v25 =	vld [tilespmem:s26+$0x210]  }
0x132: {  	v22 =	vld [tilespmem:s26+$0x220]  }
0x133: {  	v24 =	vld [tilespmem:s26+$0x230]  }
0x134: {  	v3 =	vld [tilespmem:s26+$0x240]  }
0x135: {  	v2 =	vld [tilespmem:s26+$0x250]  }
0x136: {  	v26 =	vld [tilespmem:s26+$0x3580]  }
0x137: {  	v27 =	vld [tilespmem:s26+$0x3590]  }
0x138: {  	v28 =	vld [tilespmem:s26+$0x35A0]  }
0x139: {  	v29 =	vld [tilespmem:s26+$0x35B0]  }
0x13a: {  	v8 =	vld [tilespmem:s26+$0x35C0]  }
0x13b: {  	v9 =	vld [tilespmem:s26+$0x35D0]  }
0x13c: {  	v30 =	vld [tilespmem:s26+$0x180]  }
0x13d: {  	v31 =	vld [tilespmem:s26+$0x190]  }
0x13e: {  	v32 =	vld [tilespmem:s26+$0x1A0]  }
0x13f: {  	v33 =	vld [tilespmem:s26+$0x1B0]  }
0x140: {  	v10 =	vld [tilespmem:s26+$0x1C0]  }
0x141: {  	v11 =	vld [tilespmem:s26+$0x1D0]  }
0x142: {  	v34 =	vld [tilespmem:s26+$0x3500]  }
0x143: {  	v35 =	vld [tilespmem:s26+$0x3510]  }
0x144: {  	v36 =	vld [tilespmem:s26+$0x3520]  }
0x145: {  	v37 =	vld [tilespmem:s26+$0x3530]  }
0x146: {  	v20 =	vld [tilespmem:s26+$0x3540]  }
0x147: {  	v21 =	vld [tilespmem:s26+$0x3550]  }
0x148: {  	v38 =	vld [tilespmem:s26+$0x100]  }
0x149: {  	v39 =	vld [tilespmem:s26+$0x110]  }
0x14a: {  	v40 =	vld [tilespmem:s26+$0x3480]  }
0x14b: {  	v41 =	vld [tilespmem:s26+$0x3490]  }
0x14c: {  	v42 =	vld [tilespmem:s26+$0x80]  }
0x14d: {  	v43 =	vld [tilespmem:s26+$0x90]  }
0x14e: {  	v44 =	vld [tilespmem:s26+$0x3400]  }
0x14f: {  	v45 =	vld [tilespmem:s26+$0x3410]  }
0x150: {  	v46 =	vld [tilespmem:s26+$0x0]  }
0x151: {  	v47 =	vld [tilespmem:s26+$0x10]  }
0x152: {  	v48 =	vld [tilespmem:s26+$0x20]  }
0x153: {  	v49 =	vld [tilespmem:s26+$0x30]  }
0x154: {  	v50 =	vld [tilespmem:s26+$0x3420]  }
0x155: {  	v51 =	vld [tilespmem:s26+$0x3430]  }
0x156: {  	v52 =	vld [tilespmem:s26+$0xA0]  }
0x157: {  	v7 =	vadd.f32 v46, v7;
	v6 =	vadd.f32 v47, v6;
	v46 =	vld [tilespmem:s26+$0xB0]  }
0x158: {  	v5 =	vadd.f32 v48, v5;
	v4 =	vadd.f32 v49, v4;
	v47 =	vld [tilespmem:s26+$0x34A0]  }
0x159: {  	v7 =	vadd.f32 v44, v7;
	v6 =	vadd.f32 v45, v6;
	v44 =	vld [tilespmem:s26+$0x34B0]  }
0x15a: {  	v5 =	vadd.f32 v50, v5;
	v4 =	vadd.f32 v51, v4;
	v45 =	vld [tilespmem:s26+$0x120]  }
0x15b: {  	v7 =	vadd.f32 v42, v7;
	v6 =	vadd.f32 v43, v6;
	v42 =	vld [tilespmem:s26+$0x130]  }
0x15c: {  	v5 =	vadd.f32 v52, v5;
	v4 =	vadd.f32 v46, v4;
	v43 =	vld [tilespmem:s26+$0x140]  }
0x15d: {  	v7 =	vadd.f32 v40, v7;
	v6 =	vadd.f32 v41, v6;
	v40 =	vld [tilespmem:s26+$0x150]  }
0x15e: {  	v5 =	vadd.f32 v47, v5;
	v4 =	vadd.f32 v44, v4;
	v41 =	vld [tilespmem:s26+$0x34C0]  }
0x15f: {  	v7 =	vadd.f32 v38, v7;
	v6 =	vadd.f32 v39, v6;
	v44 =	vld [tilespmem:s26+$0x34D0]  }
0x160: {  	v5 =	vadd.f32 v45, v5;
	v38 =	vld [tilespmem:s26+$0xC0];
	v4 =	vadd.f32 v42, v4  }
0x161: {  	v7 =	vadd.f32 v34, v7;
	v6 =	vadd.f32 v35, v6;
	v39 =	vld [tilespmem:s26+$0xD0]  }
0x162: {  	v5 =	vadd.f32 v36, v5;
	v34 =	vld [tilespmem:s26+$0x3440];
	v4 =	vadd.f32 v37, v4  }
0x163: {  	v7 =	vadd.f32 v30, v7;
	v6 =	vadd.f32 v31, v6;
	v35 =	vld [tilespmem:s26+$0x3450]  }
0x164: {  	v5 =	vadd.f32 v32, v5;
	v30 =	vld [tilespmem:s26+$0x40];
	v4 =	vadd.f32 v33, v4  }
0x165: {  	v7 =	vadd.f32 v26, v7;
	v6 =	vadd.f32 v27, v6;
	v31 =	vld [tilespmem:s26+$0x50]  }
0x166: {  	v5 =	vadd.f32 v28, v5;
	v26 =	vld [tilespmem:s26+$0x60];
	v4 =	vadd.f32 v29, v4  }
0x167: {  	s25 =	sadd.s32 $0x5, s25;
	v7 =	vadd.f32 v23, v7;
	v6 =	vadd.f32 v25, v6;
	v27 =	vld [tilespmem:s26+$0x70]  }
0x168: {  	p1 =	slt.u32 s25, $0x5F;
	v5 =	vadd.f32 v22, v5;
	v23 =	vld [tilespmem:s26+$0x3460];
	v4 =	vadd.f32 v24, v4  }
0x169: {  	v7 =	vadd.f32 v12, v7;
	v6 =	vadd.f32 v13, v6;
	v22 =	vld [tilespmem:s26+$0x3470]  }
0x16a: {  	v5 =	vadd.f32 v14, v5;
	v12 =	vld [tilespmem:s26+$0xE0];
	v4 =	vadd.f32 v19, v4  }
0x16b: {  	v13 =	vadd.f32 v30, v15;
	v14 =	vadd.f32 v31, v16;
	v15 =	vld [tilespmem:s26+$0xF0]  }
0x16c: {  	v16 =	vadd.f32 v26, v17;
	v17 =	vadd.f32 v27, v18;
	v18 =	vld [tilespmem:s26+$0x34E0]  }
0x16d: {  	v13 =	vadd.f32 v34, v13;
	v14 =	vadd.f32 v35, v14;
	v19 =	vld [tilespmem:s26+$0x34F0]  }
0x16e: {  	v16 =	vadd.f32 v23, v16;
	v17 =	vadd.f32 v22, v17;
	v22 =	vld [tilespmem:s26+$0x160]  }
0x16f: {  	v13 =	vadd.f32 v38, v13;
	v14 =	vadd.f32 v39, v14;
	v23 =	vld [tilespmem:s26+$0x170]  }
0x170: {  	v12 =	vadd.f32 v12, v16;
	v15 =	vadd.f32 v15, v17;
	v16 =	vld [tilespmem:s26+$0x3560]  }
0x171: {  	v13 =	vadd.f32 v41, v13;
	v14 =	vadd.f32 v44, v14;
	v17 =	vld [tilespmem:s26+$0x3570]  }
0x172: {  	v12 =	vadd.f32 v18, v12;
	v15 =	vadd.f32 v19, v15;
	v18 =	vld [tilespmem:s26+$0x1E0]  }
0x173: {  	v19 =	vadd.f32 v43, v13;
	v14 =	vadd.f32 v40, v14;
	v24 =	vld [tilespmem:s26+$0x1F0]  }
0x174: {  	v12 =	vadd.f32 v22, v12;
	v15 =	vadd.f32 v23, v15;
	v13 =	vld [tilespmem:s26+$0x35E0]  }
.Ltmp3:
0x175: {  	v19 =	vadd.f32 v20, v19;
	v20 =	vadd.f32 v21, v14;
	v14 =	vld [tilespmem:s26+$0x35F0];
	(pc) =	sbr.rel @p1 .LBB2_5-.Ltmp3, $4  }
0x176: {  	v12 =	vadd.f32 v16, v12;
	v16 =	vadd.f32 v17, v15;
	v15 =	vld [tilespmem:s26+$0x260]  }
0x177: {  	v19 =	vadd.f32 v10, v19;
	v20 =	vadd.f32 v11, v20;
	v11 =	vld [tilespmem:s26+$0x270]  }
0x178: {  	v17 =	vadd.f32 v18, v12;
	v16 =	vadd.f32 v24, v16;
	v10 =	vld [tilespmem:s26+$0x3660]  }
0x179: {  	v18 =	vadd.f32 v8, v19;
	v9 =	vadd.f32 v9, v20;
	v8 =	vld [tilespmem:s26+$0x3670];
	s26 =	sadd.s32 $0x280, s26  }
0x17a: {  	_ = 	snop  }
0x17b: {  	v12 =	vadd.f32 v13, v17;
	[tilespmem:s23+$0x15080] =	vst v7;
	v3 =	vadd.f32 v3, v18  }
0x17c: {  	v59 =	vadd.f32 v14, v16;
	[tilespmem:s23+$0x15090] =	vst v6;
	v2 =	vadd.f32 v2, v9  }
0x17d: {  	[tilespmem:s23+$0x150A0] =	vst v5;
	v60 =	vadd.f32 v15, v12;
	v0 =	vadd.f32 v0, v3  }
.Ltmp4:
0x17e: {  	[tilespmem:s23+$0x150B0] =	vst v4;
	v61 =	vadd.f32 v11, v59;
	v1 =	vadd.f32 v1, v2;
	(pc) =	sbr.rel @p0 .LBB2_8-.Ltmp4, $4  }
0x17f: {  	v62 =	vadd.f32 v10, v60;
	[tilespmem:s23+$0x150C0] =	vst v0  }
0x180: {  	v63 =	vadd.f32 v8, v61;
	[tilespmem:s23+$0x150D0] =	vst v1  }
0x181: {  	[tilespmem:s23+$0x150E0] =	vst v62  }
0x182: {  	[tilespmem:s23+$0x150F0] =	vst v63  }
.Ltmp5:
0x183: {  	(pc) =	sbr.rel .LBB2_2-.Ltmp5, $4  }
0x184: {  	s23 =	sadd.s32 $0x300, s24  }
0x185: {  	[tilespmem:s13], [sflag:$0x3] =	stream.indirect.gather [hbm4b:s3+s8], $0x80, s23, s8, $0xb8;
	[tilespmem:$0x19000] =	vst v63  }
0x186: {  	s31 =	sadd.s32 $0x380, s24;
	s22 =	sadd.s32 $0x1, s22  }
0x187: {  	[tilespmem:s15], [sflag:$0x4] =	stream.indirect.gather [hbm4b:s3+s8], $0x80, s31, s8, $0xb8;
	[tilespmem:$0x19000] =	vst v63  }
.LBB2_9:
0x188: {  	_ =	sfence.sel $0x180000  }
0x189: {  	[bflag:$0x0] =	sbarrier.arrive $0xFFFF  }
0x18a: {  	p0 =	sne.s32 s1, $0x0;
	_ =	strace $0x90000047  }
0x18b: {  	s0 =	sadd.s32 @!p0 $0x100000, s0;
	[bflag:$0x2] =	sbarrier.arrive $0xFFFF  }
0x18c: {  	[sflag:s0] =	ssyncadd.tile.s32 @!p0 $0x1;
	_ =	shalt  }
.Lfunc_end2:
_tile_overlayer_lowered:
.L_overlay_start_2:
0x18d: {  	(tag) =	ssettag $0x2  }
0x18e: {  	s0 =	rddreg [dreg:$0x0];
	s2 =	stileid.u32  }
0x18f: {  	s1 =	rddreg [dreg:$0x1];
	p0 =	sne.s32 s2, $0x0  }
0x190: {  	s3 =	rddreg [dreg:$0x2];
	[bflag:$0x3] =	sbarrier.arrive $0xFFFF;
	s2 =	simm.s32 @!p0 $0x1C05  }
0x191: {  	[timem:s3], [sflag:s2] =	dma.local @!p0 [hbm:s0], s1  }
0x192: {  	s0 =	simm.s32 @!p0 $0x5  }
0x193: {  	_ =	swait.ge @!p0 [sflag:s0], s1  }
0x194: {  	s1 =	ssub.s32 @!p0 $0x0, s1;
	[sflag:s0] =	ssyncset.done @!p0 $0x0  }
0x195: {  	[sflag:s0] =	ssyncadd.s32 @!p0 s1  }
0x196: {  	[bflag:$0x3] =	sbarrier.arrive $0xFFFF  }
0x197: {  	_ =	shalt  }

</sc_bundles>
